<compile_context>
chip_gen: v7x
topology: tpu7x:2x2x1
jax: 0.10.2.dev20260603
libtpu: 0.0.44.dev20260713+nightly
codegen_flags: <defaults>
</compile_context>

<pallas_src>
import functools

import jax
import jax.numpy as jnp
from jax import lax
from jax.experimental import pallas as pl
from jax.experimental.pallas import tpu as pltpu
from jax.experimental.pallas import tpu_sc as plsc

N = 20000
NPAD = 20480
SUBS = 16
LANES = 16
E = NPAD // SUBS
CHUNKS = E // LANES
KEEP = 100
OUTROWS = 104
REC = 2 * LANES
IMG = 1024.0
NEG = -1e9
PAD_NEG = -3e9
BIG = 3.0e38


def _build_rec(m, g, lane, x1v, y1v, x2v, y2v, arv, base):
    mv = jnp.full((LANES,), m, jnp.float32)
    gv = jnp.full((LANES,), g, jnp.float32)
    iv = jnp.full((LANES,), g.astype(jnp.int32) - base, jnp.int32)
    x1w = plsc.load_gather(x1v, [iv])
    y1w = plsc.load_gather(y1v, [iv])
    x2w = plsc.load_gather(x2v, [iv])
    y2w = plsc.load_gather(y2v, [iv])
    arw = plsc.load_gather(arv, [iv])
    return jnp.where(
        lane == 0, x1w,
        jnp.where(lane == 1, y1w,
                  jnp.where(lane == 2, x2w,
                            jnp.where(lane == 3, y2w,
                                      jnp.where(lane == 4, mv,
                                                jnp.where(lane == 5, arw, gv))))))


def _build_cands(m1, g1, m2, g2, lane, x1v, y1v, x2v, y2v, arv, base):
    M1 = jnp.max(m1)
    G1 = jnp.min(jnp.where(m1 == jnp.full((LANES,), M1, jnp.float32), g1, BIG))
    winlane = (m1 == jnp.full((LANES,), M1, jnp.float32)) & (
        g1 == jnp.full((LANES,), G1, jnp.float32))
    cv = jnp.where(winlane, m2, m1)
    cg = jnp.where(winlane, g2, g1)
    M2 = jnp.max(cv)
    G2 = jnp.min(jnp.where(cv == jnp.full((LANES,), M2, jnp.float32), cg, BIG))
    rec1 = _build_rec(M1, G1, lane, x1v, y1v, x2v, y2v, arv, base)
    rec2 = _build_rec(M2, G2, lane, x1v, y1v, x2v, y2v, arv, base)
    return rec1, rec2


def _nms_body(pack_h, out_h,
              x1v, y1v, x2v, y2v, dxv, dyv, dwv, dhv, arv, wkv,
              candv, allc, outv, shared):
    sub = lax.axis_index("s")
    core = lax.axis_index("c")
    base = sub * E
    lane = lax.broadcasted_iota(jnp.int32, (LANES,), 0)
    lanef = lane.astype(jnp.float32)
    basef = jnp.float32(E) * sub.astype(jnp.float32)
    top0 = (jnp.full((LANES,), -BIG, jnp.float32),
            jnp.zeros((LANES,), jnp.float32),
            jnp.full((LANES,), -BIG, jnp.float32),
            jnp.zeros((LANES,), jnp.float32))

    pltpu.sync_copy(pack_h.at[pl.ds(0 * NPAD + base, E)], x1v)
    pltpu.sync_copy(pack_h.at[pl.ds(1 * NPAD + base, E)], y1v)
    pltpu.sync_copy(pack_h.at[pl.ds(2 * NPAD + base, E)], x2v)
    pltpu.sync_copy(pack_h.at[pl.ds(3 * NPAD + base, E)], y2v)
    pltpu.sync_copy(pack_h.at[pl.ds(4 * NPAD + base, E)], dxv)
    pltpu.sync_copy(pack_h.at[pl.ds(5 * NPAD + base, E)], dyv)
    pltpu.sync_copy(pack_h.at[pl.ds(6 * NPAD + base, E)], dwv)
    pltpu.sync_copy(pack_h.at[pl.ds(7 * NPAD + base, E)], dhv)
    pltpu.sync_copy(pack_h.at[pl.ds(8 * NPAD + base, E)], wkv)

    def track2(nwk, gidf, m1, g1, m2, g2):
        gt1 = nwk > m1
        gt2 = nwk > m2
        m2n = jnp.where(gt1, m1, jnp.where(gt2, nwk, m2))
        g2n = jnp.where(gt1, g1, jnp.where(gt2, gidf, g2))
        return (jnp.where(gt1, nwk, m1), jnp.where(gt1, gidf, g1), m2n, g2n)

    def decode_chunk(jj, carry):
        m1, g1, m2, g2 = carry
        for u in range(4):
            j = jj * 4 + u
            sl = pl.ds(j * LANES, LANES)
            x1 = x1v[sl]
            y1 = y1v[sl]
            x2 = x2v[sl]
            y2 = y2v[sl]
            w = x2 - x1 + 1.0
            h = y2 - y1 + 1.0
            cx = x1 + 0.5 * w
            cy = y1 + 0.5 * h
            pcx = dxv[sl] * w + cx
            pcy = dyv[sl] * h + cy
            pw = jnp.exp(dwv[sl]) * w
            ph = jnp.exp(dhv[sl]) * h
            nx1 = jnp.clip(pcx - 0.5 * pw, 0.0, IMG)
            ny1 = jnp.clip(pcy - 0.5 * ph, 0.0, IMG)
            nx2 = jnp.clip(pcx + 0.5 * pw, 0.0, IMG)
            ny2 = jnp.clip(pcy + 0.5 * ph, 0.0, IMG)
            ar = jnp.maximum(nx2 - nx1, 0.0) * jnp.maximum(ny2 - ny1, 0.0)
            x1v[sl] = nx1
            y1v[sl] = ny1
            x2v[sl] = nx2
            y2v[sl] = ny2
            arv[sl] = ar
            gidf = basef + (j * LANES).astype(jnp.float32) + lanef
            m1, g1, m2, g2 = track2(wkv[sl], gidf, m1, g1, m2, g2)
        return (m1, g1, m2, g2)

    m1, g1, m2, g2 = lax.fori_loop(0, CHUNKS // 4, decode_chunk, top0)
    rec10, rec20 = _build_cands(m1, g1, m2, g2, lane,
                                x1v, y1v, x2v, y2v, arv, base)

    def cond(carry):
        return carry[0] < KEEP

    def step(carry):
        t, e, rec1, rec2 = carry
        p = lax.bitwise_and(e, 1)
        candv[pl.ds(0, LANES)] = rec1
        candv[pl.ds(LANES, LANES)] = rec2
        pltpu.sync_copy(
            candv, shared.at[pl.ds(p * (SUBS * REC) + sub * REC, REC)])
        plsc.subcore_barrier()
        pltpu.sync_copy(shared.at[pl.ds(p * (SUBS * REC), SUBS * REC)], allc)
        vals1 = plsc.load_gather(allc, [lane * REC + 4])
        gids1 = plsc.load_gather(allc, [lane * REC + 6])
        vals2 = plsc.load_gather(allc, [lane * REC + LANES + 4])
        gids2 = plsc.load_gather(allc, [lane * REC + LANES + 6])
        M1 = jnp.max(vals1)
        tie1 = vals1 == jnp.full((LANES,), M1, jnp.float32)
        G1 = jnp.min(jnp.where(tie1, gids1, BIG))
        rowc1 = jnp.where(tie1 & (gids1 == jnp.full((LANES,), G1, jnp.float32)),
                          lane, 9999)
        r1 = jnp.min(rowc1)
        rb1 = r1 * REC
        win1 = plsc.load_gather(allc, [jnp.full((LANES,), rb1, jnp.int32) + lane])
        iw_mask = lane == jnp.full((LANES,), r1, jnp.int32)
        cv = jnp.where(iw_mask, vals2, vals1)
        cg = jnp.where(iw_mask, gids2, gids1)
        M2 = jnp.max(cv)
        tie2 = cv == jnp.full((LANES,), M2, jnp.float32)
        G2 = jnp.min(jnp.where(tie2, cg, BIG))
        rowc2 = jnp.where(tie2 & (cg == jnp.full((LANES,), G2, jnp.float32)),
                          lane, 9999)
        r2 = jnp.min(rowc2)
        rb2 = r2 * REC + jnp.where(r2 == r1, LANES, 0)
        win2 = plsc.load_gather(allc, [jnp.full((LANES,), rb2, jnp.int32) + lane])

        bx1 = plsc.load_gather(allc, [jnp.full((LANES,), rb1, jnp.int32)])
        by1 = plsc.load_gather(allc, [jnp.full((LANES,), rb1 + 1, jnp.int32)])
        bx2 = plsc.load_gather(allc, [jnp.full((LANES,), rb1 + 2, jnp.int32)])
        by2 = plsc.load_gather(allc, [jnp.full((LANES,), rb1 + 3, jnp.int32)])
        bar = plsc.load_gather(allc, [jnp.full((LANES,), rb1 + 5, jnp.int32)])
        cx1 = plsc.load_gather(allc, [jnp.full((LANES,), rb2, jnp.int32)])
        cy1 = plsc.load_gather(allc, [jnp.full((LANES,), rb2 + 1, jnp.int32)])
        cx2 = plsc.load_gather(allc, [jnp.full((LANES,), rb2 + 2, jnp.int32)])
        cy2 = plsc.load_gather(allc, [jnp.full((LANES,), rb2 + 3, jnp.int32)])
        car = plsc.load_gather(allc, [jnp.full((LANES,), rb2 + 5, jnp.int32)])

        sxx1 = jnp.maximum(bx1, cx1)
        syy1 = jnp.maximum(by1, cy1)
        sxx2 = jnp.minimum(bx2, cx2)
        syy2 = jnp.minimum(by2, cy2)
        sinter = jnp.maximum(sxx2 - sxx1, 0.0) * jnp.maximum(syy2 - syy1, 0.0)
        siou = sinter / (bar + car - sinter + 1e-9)
        specv = (~(siou > 0.5)) & (jnp.full((LANES,), M2, jnp.float32) > NEG)
        spec_i = jnp.max(jnp.where(specv, 1, 0))
        spec_b = spec_i > 0

        ok0 = (sub == 0) & (core == 0)

        @pl.when(ok0)
        def _():
            outv[pl.ds(t * LANES, LANES)] = win1

        @pl.when(ok0 & spec_b)
        def _():
            outv[pl.ds((t + 1) * LANES, LANES)] = win2

        wg1 = G1.astype(jnp.int32)
        wg2 = G2.astype(jnp.int32)

        @pl.when((wg1 >= base) & (wg1 < base + E))
        def _():
            plsc.store_scatter(wkv, [jnp.full((LANES,), wg1 - base, jnp.int32)],
                               jnp.full((LANES,), NEG, jnp.float32),
                               mask=lane == 0)

        @pl.when(spec_b & (wg2 >= base) & (wg2 < base + E))
        def _():
            plsc.store_scatter(wkv, [jnp.full((LANES,), wg2 - base, jnp.int32)],
                               jnp.full((LANES,), NEG, jnp.float32),
                               mask=lane == 0)

        cx1p = jnp.where(specv, cx1, -5000.0)
        cy1p = jnp.where(specv, cy1, -5000.0)
        cx2p = jnp.where(specv, cx2, -4000.0)
        cy2p = jnp.where(specv, cy2, -4000.0)

        def chunk(jj, carry):
            m1, g1, m2, g2 = carry
            for u in range(4):
                j = jj * 4 + u
                sl = pl.ds(j * LANES, LANES)
                x1 = x1v[sl]
                y1 = y1v[sl]
                x2 = x2v[sl]
                y2 = y2v[sl]
                ar = arv[sl]
                wk = wkv[sl]
                xx1 = jnp.maximum(bx1, x1)
                yy1 = jnp.maximum(by1, y1)
                xx2 = jnp.minimum(bx2, x2)
                yy2 = jnp.minimum(by2, y2)
                inter = jnp.maximum(xx2 - xx1, 0.0) * jnp.maximum(yy2 - yy1, 0.0)
                iou1 = inter / (bar + ar - inter + 1e-9)
                qx1 = jnp.maximum(cx1p, x1)
                qy1 = jnp.maximum(cy1p, y1)
                qx2 = jnp.minimum(cx2p, x2)
                qy2 = jnp.minimum(cy2p, y2)
                qint = jnp.maximum(qx2 - qx1, 0.0) * jnp.maximum(qy2 - qy1, 0.0)
                iou2 = qint / (car + ar - qint + 1e-9)
                sup = (iou1 > 0.5) | (iou2 > 0.5)
                nwk = jnp.where(sup, NEG, wk)
                wkv[sl] = nwk
                gidf = basef + (j * LANES).astype(jnp.float32) + lanef
                m1, g1, m2, g2 = track2(nwk, gidf, m1, g1, m2, g2)
            return (m1, g1, m2, g2)

        m1, g1, m2, g2 = lax.fori_loop(0, CHUNKS // 4, chunk, top0)
        rec1n, rec2n = _build_cands(m1, g1, m2, g2, lane,
                                    x1v, y1v, x2v, y2v, arv, base)
        return (t + 1 + spec_i, e + 1, rec1n, rec2n)

    lax.while_loop(cond, step, (jnp.int32(0), jnp.int32(0), rec10, rec20))

    @pl.when((sub == 0) & (core == 0))
    def _():
        pltpu.sync_copy(outv, out_h)


_SCRATCH = (
    [pltpu.VMEM((E,), jnp.float32)] * 10
    + [
        pltpu.VMEM((REC,), jnp.float32),
        pltpu.VMEM((SUBS * REC,), jnp.float32),
        pltpu.VMEM((OUTROWS * LANES,), jnp.float32),
        pltpu.VMEM_SHARED((2 * SUBS * REC,), jnp.float32),
    ]
)


@functools.lru_cache(maxsize=None)
def _get_nms():
    return functools.partial(
        pl.kernel,
        out_type=jax.ShapeDtypeStruct((OUTROWS * LANES,), jnp.float32),
        mesh=plsc.VectorSubcoreMesh(core_axis_name="c", subcore_axis_name="s",
                                    num_cores=1),
        compiler_params=pltpu.CompilerParams(needs_layout_passes=False),
        scratch_types=list(_SCRATCH),
    )(_nms_body)


def kernel(boxes, scores, box_deltas):
    cols = jnp.concatenate([boxes.T, box_deltas.T, scores[None, :]], axis=0)
    pack = jnp.pad(cols, ((0, 0), (0, NPAD - N)),
                   constant_values=PAD_NEG).reshape(-1)
    flat = _get_nms()(pack)
    return flat.reshape(OUTROWS, LANES)[:KEEP, :5]

# --- scband reference (transcript-rebuilt; emitter-appended) ---
"""Pipeline reference for scband-gm-59554016526338 (READ-ONLY COPY).

The authoritative reference and input builder live on the scoring server;
editing this copy changes nothing except your own understanding.
"""

import jax, jax.numpy as jnp
import numpy as np

N = 20000
IMG_H, IMG_W = 1024.0, 1024.0
IOU_THRESH = 0.5
MAX_OUT = 100
EPS = 1.0


def setup_inputs(seed: int = 0) -> dict:
    key = jax.random.key(seed)
    k1, k2, k3 = jax.random.split(key, 3)
    raw = jax.random.uniform(k1, (N, 4), dtype=jnp.float32)
    cx = raw[:, 0] * IMG_W
    cy = raw[:, 1] * IMG_H
    w = raw[:, 2] * 200.0 + 16.0
    h = raw[:, 3] * 200.0 + 16.0
    boxes = jnp.stack([cx - 0.5 * w, cy - 0.5 * h, cx + 0.5 * w, cy + 0.5 * h], axis=1)
    scores = jax.random.uniform(k2, (N,), dtype=jnp.float32)
    box_deltas = jax.random.normal(k3, (N, 4), dtype=jnp.float32) * 0.1
    return {"boxes": boxes, "scores": scores, "box_deltas": box_deltas}


def _bbox_pred(boxes, box_deltas):
    widths = boxes[:, 2] - boxes[:, 0] + EPS
    heights = boxes[:, 3] - boxes[:, 1] + EPS
    ctr_x = boxes[:, 0] + 0.5 * widths
    ctr_y = boxes[:, 1] + 0.5 * heights
    dx = box_deltas[:, 0]
    dy = box_deltas[:, 1]
    dw = box_deltas[:, 2]
    dh = box_deltas[:, 3]
    pred_ctr_x = dx * widths + ctr_x
    pred_ctr_y = dy * heights + ctr_y
    pred_w = jnp.exp(dw) * widths
    pred_h = jnp.exp(dh) * heights
    return jnp.stack([
        pred_ctr_x - 0.5 * pred_w,
        pred_ctr_y - 0.5 * pred_h,
        pred_ctr_x + 0.5 * pred_w,
        pred_ctr_y + 0.5 * pred_h,
    ], axis=1)


def _clip_boxes(boxes):
    x1 = jnp.clip(boxes[:, 0], 0.0, IMG_W)
    y1 = jnp.clip(boxes[:, 1], 0.0, IMG_H)
    x2 = jnp.clip(boxes[:, 2], 0.0, IMG_W)
    y2 = jnp.clip(boxes[:, 3], 0.0, IMG_H)
    return jnp.stack([x1, y1, x2, y2], axis=1)


def _iou_one_vs_all(box, boxes):
    xx1 = jnp.maximum(box[0], boxes[:, 0])
    yy1 = jnp.maximum(box[1], boxes[:, 1])
    xx2 = jnp.minimum(box[2], boxes[:, 2])
    yy2 = jnp.minimum(box[3], boxes[:, 3])
    iw = jnp.maximum(xx2 - xx1, 0.0)
    ih = jnp.maximum(yy2 - yy1, 0.0)
    inter = iw * ih
    area1 = jnp.maximum(box[2] - box[0], 0.0) * jnp.maximum(box[3] - box[1], 0.0)
    area2 = jnp.maximum(boxes[:, 2] - boxes[:, 0], 0.0) * jnp.maximum(boxes[:, 3] - boxes[:, 1], 0.0)
    return inter / (area1 + area2 - inter + 1e-9)


def reference(boxes, scores, box_deltas):
    pred = _bbox_pred(boxes, box_deltas)
    pred = _clip_boxes(pred)
    work = scores
    kept_boxes = []
    kept_scores = []
    for _ in range(MAX_OUT):
        i = jnp.argmax(work)
        b = pred[i]
        s = work[i]
        kept_boxes.append(b)
        kept_scores.append(s)
        iou = _iou_one_vs_all(b, pred)
        suppress = iou > IOU_THRESH
        work = jnp.where(suppress, -1e9, work)
        work = work.at[i].set(-1e9)
    kb = jnp.stack(kept_boxes, axis=0)
    ks = jnp.stack(kept_scores, axis=0)
    return jnp.concatenate([kb, ks[:, None]], axis=1)

if __name__ == "__main__":
    import jax
    _d = setup_inputs()
    print(jax.jit(kernel)(*tuple(_d.values())))

</pallas_src>

<mosaic_0001>
#map = affine_map<(d0, d1) -> (0)>
module attributes {stable_mosaic.version = 14 : i64} {
  func.func @_nms_body(%arg0: i32, %arg1: i32, %arg2: memref<184320xf32, #tpu.memory_space<hbm>>, %arg3: memref<1664xf32, #tpu.memory_space<hbm>>, %arg4: memref<1280xf32, #tpu.memory_space<vmem>>, %arg5: memref<1280xf32, #tpu.memory_space<vmem>>, %arg6: memref<1280xf32, #tpu.memory_space<vmem>>, %arg7: memref<1280xf32, #tpu.memory_space<vmem>>, %arg8: memref<1280xf32, #tpu.memory_space<vmem>>, %arg9: memref<1280xf32, #tpu.memory_space<vmem>>, %arg10: memref<1280xf32, #tpu.memory_space<vmem>>, %arg11: memref<1280xf32, #tpu.memory_space<vmem>>, %arg12: memref<1280xf32, #tpu.memory_space<vmem>>, %arg13: memref<1280xf32, #tpu.memory_space<vmem>>, %arg14: memref<32xf32, #tpu.memory_space<vmem>>, %arg15: memref<512xf32, #tpu.memory_space<vmem>>, %arg16: memref<1664xf32, #tpu.memory_space<vmem>>, %arg17: memref<1024xf32, #tpu.memory_space<vmem_shared>>) attributes {dimension_semantics = [#tpu.dimension_semantics<core_parallel>, #tpu.dimension_semantics<subcore_parallel>], iteration_bounds = array<i64: 1, 16>, scalar_prefetch = 0 : i64, scratch_operands = 14 : i64, tpu.core_type = #tpu.core_type<sc_vector_subcore>, window_params = [{transform_indices = #map}, {transform_indices = #map}]} {
    %mul3A = arith.constant 1280 : i32
    %mul3A_0 = arith.muli %arg1, %mul3A : i32
    %iota3A = tpu.iota {dimensions = array<i32: 0>} : vector<16xi32>
    %convert_element_type3A = arith.sitofp %iota3A : vector<16xi32> to vector<16xf32>
    %convert_element_type3A_1 = arith.sitofp %arg1 : i32 to f32
    %mul3A_2 = arith.constant 1.280000e+03 : f32
    %mul3A_3 = arith.mulf %mul3A_2, %convert_element_type3A_1 : f32
    %broadcast_in_dim3A = arith.constant -3.000000e+38 : f32
    %broadcast_in_dim3A_4 = vector.broadcast %broadcast_in_dim3A : f32 to vector<16xf32>
    %broadcast_in_dim3A_5 = arith.constant 0.000000e+00 : f32
    %broadcast_in_dim3A_6 = vector.broadcast %broadcast_in_dim3A_5 : f32 to vector<16xf32>
    %broadcast_in_dim3A_7 = arith.constant -3.000000e+38 : f32
    %broadcast_in_dim3A_8 = vector.broadcast %broadcast_in_dim3A_7 : f32 to vector<16xf32>
    %broadcast_in_dim3A_9 = arith.constant 0.000000e+00 : f32
    %broadcast_in_dim3A_10 = vector.broadcast %broadcast_in_dim3A_9 : f32 to vector<16xf32>
    %add3A = arith.constant 0 : i32
    %add3A_11 = arith.addi %add3A, %mul3A_0 : i32
    "tpu.region"() ({
      %run_scoped3A = tpu.sem_alloc : memref<!tpu.dma_semaphore, #tpu.memory_space<semaphore_mem>>
      %dma_start3A = tpu.memref_slice %arg2[%add3A_11] : memref<184320xf32, #tpu.memory_space<hbm>> -> memref<1280xf32, #tpu.memory_space<hbm>>
      %dma_start3A_135 = tpu.memref_slice %arg2[%add3A_11] : memref<184320xf32, #tpu.memory_space<hbm>> -> memref<1280xf32, #tpu.memory_space<hbm>>
      tpu.enqueue_dma source(%dma_start3A_135 : memref<1280xf32, #tpu.memory_space<hbm>>) target(%arg4 : memref<1280xf32, #tpu.memory_space<vmem>>) target_semaphore(%run_scoped3A : memref<!tpu.dma_semaphore, #tpu.memory_space<semaphore_mem>>)
      %dma_wait3A = tpu.memref_slice %arg2[%add3A_11] : memref<184320xf32, #tpu.memory_space<hbm>> -> memref<1280xf32, #tpu.memory_space<hbm>>
      %dma_wait3A_136 = tpu.memref_slice %arg2[%add3A_11] : memref<184320xf32, #tpu.memory_space<hbm>> -> memref<1280xf32, #tpu.memory_space<hbm>>
      tpu.wait_dma2 semaphore(%run_scoped3A : memref<!tpu.dma_semaphore, #tpu.memory_space<semaphore_mem>>) src(%dma_wait3A_136 : memref<1280xf32, #tpu.memory_space<hbm>>) dst(%arg4 : memref<1280xf32, #tpu.memory_space<vmem>>)
      tpu.yield
    }) : () -> ()
    %add3A_12 = arith.constant 20480 : i32
    %add3A_13 = arith.addi %add3A_12, %mul3A_0 : i32
    "tpu.region"() ({
      %run_scoped3A = tpu.sem_alloc : memref<!tpu.dma_semaphore, #tpu.memory_space<semaphore_mem>>
      %dma_start3A = tpu.memref_slice %arg2[%add3A_13] : memref<184320xf32, #tpu.memory_space<hbm>> -> memref<1280xf32, #tpu.memory_space<hbm>>
      %dma_start3A_135 = tpu.memref_slice %arg2[%add3A_13] : memref<184320xf32, #tpu.memory_space<hbm>> -> memref<1280xf32, #tpu.memory_space<hbm>>
      tpu.enqueue_dma source(%dma_start3A_135 : memref<1280xf32, #tpu.memory_space<hbm>>) target(%arg5 : memref<1280xf32, #tpu.memory_space<vmem>>) target_semaphore(%run_scoped3A : memref<!tpu.dma_semaphore, #tpu.memory_space<semaphore_mem>>)
      %dma_wait3A = tpu.memref_slice %arg2[%add3A_13] : memref<184320xf32, #tpu.memory_space<hbm>> -> memref<1280xf32, #tpu.memory_space<hbm>>
      %dma_wait3A_136 = tpu.memref_slice %arg2[%add3A_13] : memref<184320xf32, #tpu.memory_space<hbm>> -> memref<1280xf32, #tpu.memory_space<hbm>>
      tpu.wait_dma2 semaphore(%run_scoped3A : memref<!tpu.dma_semaphore, #tpu.memory_space<semaphore_mem>>) src(%dma_wait3A_136 : memref<1280xf32, #tpu.memory_space<hbm>>) dst(%arg5 : memref<1280xf32, #tpu.memory_space<vmem>>)
      tpu.yield
    }) : () -> ()
    %add3A_14 = arith.constant 40960 : i32
    %add3A_15 = arith.addi %add3A_14, %mul3A_0 : i32
    "tpu.region"() ({
      %run_scoped3A = tpu.sem_alloc : memref<!tpu.dma_semaphore, #tpu.memory_space<semaphore_mem>>
      %dma_start3A = tpu.memref_slice %arg2[%add3A_15] : memref<184320xf32, #tpu.memory_space<hbm>> -> memref<1280xf32, #tpu.memory_space<hbm>>
      %dma_start3A_135 = tpu.memref_slice %arg2[%add3A_15] : memref<184320xf32, #tpu.memory_space<hbm>> -> memref<1280xf32, #tpu.memory_space<hbm>>
      tpu.enqueue_dma source(%dma_start3A_135 : memref<1280xf32, #tpu.memory_space<hbm>>) target(%arg6 : memref<1280xf32, #tpu.memory_space<vmem>>) target_semaphore(%run_scoped3A : memref<!tpu.dma_semaphore, #tpu.memory_space<semaphore_mem>>)
      %dma_wait3A = tpu.memref_slice %arg2[%add3A_15] : memref<184320xf32, #tpu.memory_space<hbm>> -> memref<1280xf32, #tpu.memory_space<hbm>>
      %dma_wait3A_136 = tpu.memref_slice %arg2[%add3A_15] : memref<184320xf32, #tpu.memory_space<hbm>> -> memref<1280xf32, #tpu.memory_space<hbm>>
      tpu.wait_dma2 semaphore(%run_scoped3A : memref<!tpu.dma_semaphore, #tpu.memory_space<semaphore_mem>>) src(%dma_wait3A_136 : memref<1280xf32, #tpu.memory_space<hbm>>) dst(%arg6 : memref<1280xf32, #tpu.memory_space<vmem>>)
      tpu.yield
    }) : () -> ()
    %add3A_16 = arith.constant 61440 : i32
    %add3A_17 = arith.addi %add3A_16, %mul3A_0 : i32
    "tpu.region"() ({
      %run_scoped3A = tpu.sem_alloc : memref<!tpu.dma_semaphore, #tpu.memory_space<semaphore_mem>>
      %dma_start3A = tpu.memref_slice %arg2[%add3A_17] : memref<184320xf32, #tpu.memory_space<hbm>> -> memref<1280xf32, #tpu.memory_space<hbm>>
      %dma_start3A_135 = tpu.memref_slice %arg2[%add3A_17] : memref<184320xf32, #tpu.memory_space<hbm>> -> memref<1280xf32, #tpu.memory_space<hbm>>
      tpu.enqueue_dma source(%dma_start3A_135 : memref<1280xf32, #tpu.memory_space<hbm>>) target(%arg7 : memref<1280xf32, #tpu.memory_space<vmem>>) target_semaphore(%run_scoped3A : memref<!tpu.dma_semaphore, #tpu.memory_space<semaphore_mem>>)
      %dma_wait3A = tpu.memref_slice %arg2[%add3A_17] : memref<184320xf32, #tpu.memory_space<hbm>> -> memref<1280xf32, #tpu.memory_space<hbm>>
      %dma_wait3A_136 = tpu.memref_slice %arg2[%add3A_17] : memref<184320xf32, #tpu.memory_space<hbm>> -> memref<1280xf32, #tpu.memory_space<hbm>>
      tpu.wait_dma2 semaphore(%run_scoped3A : memref<!tpu.dma_semaphore, #tpu.memory_space<semaphore_mem>>) src(%dma_wait3A_136 : memref<1280xf32, #tpu.memory_space<hbm>>) dst(%arg7 : memref<1280xf32, #tpu.memory_space<vmem>>)
      tpu.yield
    }) : () -> ()
    %add3A_18 = arith.constant 81920 : i32
    %add3A_19 = arith.addi %add3A_18, %mul3A_0 : i32
    "tpu.region"() ({
      %run_scoped3A = tpu.sem_alloc : memref<!tpu.dma_semaphore, #tpu.memory_space<semaphore_mem>>
      %dma_start3A = tpu.memref_slice %arg2[%add3A_19] : memref<184320xf32, #tpu.memory_space<hbm>> -> memref<1280xf32, #tpu.memory_space<hbm>>
      %dma_start3A_135 = tpu.memref_slice %arg2[%add3A_19] : memref<184320xf32, #tpu.memory_space<hbm>> -> memref<1280xf32, #tpu.memory_space<hbm>>
      tpu.enqueue_dma source(%dma_start3A_135 : memref<1280xf32, #tpu.memory_space<hbm>>) target(%arg8 : memref<1280xf32, #tpu.memory_space<vmem>>) target_semaphore(%run_scoped3A : memref<!tpu.dma_semaphore, #tpu.memory_space<semaphore_mem>>)
      %dma_wait3A = tpu.memref_slice %arg2[%add3A_19] : memref<184320xf32, #tpu.memory_space<hbm>> -> memref<1280xf32, #tpu.memory_space<hbm>>
      %dma_wait3A_136 = tpu.memref_slice %arg2[%add3A_19] : memref<184320xf32, #tpu.memory_space<hbm>> -> memref<1280xf32, #tpu.memory_space<hbm>>
      tpu.wait_dma2 semaphore(%run_scoped3A : memref<!tpu.dma_semaphore, #tpu.memory_space<semaphore_mem>>) src(%dma_wait3A_136 : memref<1280xf32, #tpu.memory_space<hbm>>) dst(%arg8 : memref<1280xf32, #tpu.memory_space<vmem>>)
      tpu.yield
    }) : () -> ()
    %add3A_20 = arith.constant 102400 : i32
    %add3A_21 = arith.addi %add3A_20, %mul3A_0 : i32
    "tpu.region"() ({
      %run_scoped3A = tpu.sem_alloc : memref<!tpu.dma_semaphore, #tpu.memory_space<semaphore_mem>>
      %dma_start3A = tpu.memref_slice %arg2[%add3A_21] : memref<184320xf32, #tpu.memory_space<hbm>> -> memref<1280xf32, #tpu.memory_space<hbm>>
      %dma_start3A_135 = tpu.memref_slice %arg2[%add3A_21] : memref<184320xf32, #tpu.memory_space<hbm>> -> memref<1280xf32, #tpu.memory_space<hbm>>
      tpu.enqueue_dma source(%dma_start3A_135 : memref<1280xf32, #tpu.memory_space<hbm>>) target(%arg9 : memref<1280xf32, #tpu.memory_space<vmem>>) target_semaphore(%run_scoped3A : memref<!tpu.dma_semaphore, #tpu.memory_space<semaphore_mem>>)
      %dma_wait3A = tpu.memref_slice %arg2[%add3A_21] : memref<184320xf32, #tpu.memory_space<hbm>> -> memref<1280xf32, #tpu.memory_space<hbm>>
      %dma_wait3A_136 = tpu.memref_slice %arg2[%add3A_21] : memref<184320xf32, #tpu.memory_space<hbm>> -> memref<1280xf32, #tpu.memory_space<hbm>>
      tpu.wait_dma2 semaphore(%run_scoped3A : memref<!tpu.dma_semaphore, #tpu.memory_space<semaphore_mem>>) src(%dma_wait3A_136 : memref<1280xf32, #tpu.memory_space<hbm>>) dst(%arg9 : memref<1280xf32, #tpu.memory_space<vmem>>)
      tpu.yield
    }) : () -> ()
    %add3A_22 = arith.constant 122880 : i32
    %add3A_23 = arith.addi %add3A_22, %mul3A_0 : i32
    "tpu.region"() ({
      %run_scoped3A = tpu.sem_alloc : memref<!tpu.dma_semaphore, #tpu.memory_space<semaphore_mem>>
      %dma_start3A = tpu.memref_slice %arg2[%add3A_23] : memref<184320xf32, #tpu.memory_space<hbm>> -> memref<1280xf32, #tpu.memory_space<hbm>>
      %dma_start3A_135 = tpu.memref_slice %arg2[%add3A_23] : memref<184320xf32, #tpu.memory_space<hbm>> -> memref<1280xf32, #tpu.memory_space<hbm>>
      tpu.enqueue_dma source(%dma_start3A_135 : memref<1280xf32, #tpu.memory_space<hbm>>) target(%arg10 : memref<1280xf32, #tpu.memory_space<vmem>>) target_semaphore(%run_scoped3A : memref<!tpu.dma_semaphore, #tpu.memory_space<semaphore_mem>>)
      %dma_wait3A = tpu.memref_slice %arg2[%add3A_23] : memref<184320xf32, #tpu.memory_space<hbm>> -> memref<1280xf32, #tpu.memory_space<hbm>>
      %dma_wait3A_136 = tpu.memref_slice %arg2[%add3A_23] : memref<184320xf32, #tpu.memory_space<hbm>> -> memref<1280xf32, #tpu.memory_space<hbm>>
      tpu.wait_dma2 semaphore(%run_scoped3A : memref<!tpu.dma_semaphore, #tpu.memory_space<semaphore_mem>>) src(%dma_wait3A_136 : memref<1280xf32, #tpu.memory_space<hbm>>) dst(%arg10 : memref<1280xf32, #tpu.memory_space<vmem>>)
      tpu.yield
    }) : () -> ()
    %add3A_24 = arith.constant 143360 : i32
    %add3A_25 = arith.addi %add3A_24, %mul3A_0 : i32
    "tpu.region"() ({
      %run_scoped3A = tpu.sem_alloc : memref<!tpu.dma_semaphore, #tpu.memory_space<semaphore_mem>>
      %dma_start3A = tpu.memref_slice %arg2[%add3A_25] : memref<184320xf32, #tpu.memory_space<hbm>> -> memref<1280xf32, #tpu.memory_space<hbm>>
      %dma_start3A_135 = tpu.memref_slice %arg2[%add3A_25] : memref<184320xf32, #tpu.memory_space<hbm>> -> memref<1280xf32, #tpu.memory_space<hbm>>
      tpu.enqueue_dma source(%dma_start3A_135 : memref<1280xf32, #tpu.memory_space<hbm>>) target(%arg11 : memref<1280xf32, #tpu.memory_space<vmem>>) target_semaphore(%run_scoped3A : memref<!tpu.dma_semaphore, #tpu.memory_space<semaphore_mem>>)
      %dma_wait3A = tpu.memref_slice %arg2[%add3A_25] : memref<184320xf32, #tpu.memory_space<hbm>> -> memref<1280xf32, #tpu.memory_space<hbm>>
      %dma_wait3A_136 = tpu.memref_slice %arg2[%add3A_25] : memref<184320xf32, #tpu.memory_space<hbm>> -> memref<1280xf32, #tpu.memory_space<hbm>>
      tpu.wait_dma2 semaphore(%run_scoped3A : memref<!tpu.dma_semaphore, #tpu.memory_space<semaphore_mem>>) src(%dma_wait3A_136 : memref<1280xf32, #tpu.memory_space<hbm>>) dst(%arg11 : memref<1280xf32, #tpu.memory_space<vmem>>)
      tpu.yield
    }) : () -> ()
    %add3A_26 = arith.constant 163840 : i32
    %add3A_27 = arith.addi %add3A_26, %mul3A_0 : i32
    "tpu.region"() ({
      %run_scoped3A = tpu.sem_alloc : memref<!tpu.dma_semaphore, #tpu.memory_space<semaphore_mem>>
      %dma_start3A = tpu.memref_slice %arg2[%add3A_27] : memref<184320xf32, #tpu.memory_space<hbm>> -> memref<1280xf32, #tpu.memory_space<hbm>>
      %dma_start3A_135 = tpu.memref_slice %arg2[%add3A_27] : memref<184320xf32, #tpu.memory_space<hbm>> -> memref<1280xf32, #tpu.memory_space<hbm>>
      tpu.enqueue_dma source(%dma_start3A_135 : memref<1280xf32, #tpu.memory_space<hbm>>) target(%arg13 : memref<1280xf32, #tpu.memory_space<vmem>>) target_semaphore(%run_scoped3A : memref<!tpu.dma_semaphore, #tpu.memory_space<semaphore_mem>>)
      %dma_wait3A = tpu.memref_slice %arg2[%add3A_27] : memref<184320xf32, #tpu.memory_space<hbm>> -> memref<1280xf32, #tpu.memory_space<hbm>>
      %dma_wait3A_136 = tpu.memref_slice %arg2[%add3A_27] : memref<184320xf32, #tpu.memory_space<hbm>> -> memref<1280xf32, #tpu.memory_space<hbm>>
      tpu.wait_dma2 semaphore(%run_scoped3A : memref<!tpu.dma_semaphore, #tpu.memory_space<semaphore_mem>>) src(%dma_wait3A_136 : memref<1280xf32, #tpu.memory_space<hbm>>) dst(%arg13 : memref<1280xf32, #tpu.memory_space<vmem>>)
      tpu.yield
    }) : () -> ()
    %scan3A = arith.constant 0 : i32
    %scan3A_28 = arith.constant 20 : i32
    %scan3A_29 = arith.addi %scan3A, %scan3A_28 : i32
    %scan3A_30 = arith.constant 1 : i32
    %scan3A_31:4 = scf.for %scan3A_135 = %scan3A to %scan3A_29 step %scan3A_30 iter_args(%scan3A_136 = %broadcast_in_dim3A_4, %scan3A_137 = %broadcast_in_dim3A_6, %scan3A_138 = %broadcast_in_dim3A_8, %scan3A_139 = %broadcast_in_dim3A_10) -> (vector<16xf32>, vector<16xf32>, vector<16xf32>, vector<16xf32>)  : i32 {
      %mul3A_140 = arith.constant 4 : i32
      %mul3A_141 = arith.muli %scan3A_135, %mul3A_140 : i32
      %add3A_142 = arith.constant 0 : i32
      %add3A_143 = arith.addi %mul3A_141, %add3A_142 : i32
      %mul3A_144 = arith.constant 16 : i32
      %mul3A_145 = arith.muli %add3A_143, %mul3A_144 : i32
      %get3A = arith.index_cast %mul3A_145 : i32 to index
      %get3A_146 = tpu.vector_load %arg4[%get3A] {strides = array<i32>} : memref<1280xf32, #tpu.memory_space<vmem>>, vector<16xf32>,
      %get3A_147 = arith.index_cast %mul3A_145 : i32 to index
      %get3A_148 = tpu.vector_load %arg5[%get3A_147] {strides = array<i32>} : memref<1280xf32, #tpu.memory_space<vmem>>, vector<16xf32>,
      %get3A_149 = arith.index_cast %mul3A_145 : i32 to index
      %get3A_150 = tpu.vector_load %arg6[%get3A_149] {strides = array<i32>} : memref<1280xf32, #tpu.memory_space<vmem>>, vector<16xf32>,
      %get3A_151 = arith.index_cast %mul3A_145 : i32 to index
      %get3A_152 = tpu.vector_load %arg7[%get3A_151] {strides = array<i32>} : memref<1280xf32, #tpu.memory_space<vmem>>, vector<16xf32>,
      %sub3A_153 = arith.subf %get3A_150, %get3A_146 : vector<16xf32>
      %add3A_154 = arith.constant 1.000000e+00 : f32
      %add3A_155 = vector.broadcast %add3A_154 : f32 to vector<16xf32>
      %add3A_156 = arith.addf %sub3A_153, %add3A_155 : vector<16xf32>
      %sub3A_157 = arith.subf %get3A_152, %get3A_148 : vector<16xf32>
      %add3A_158 = arith.constant 1.000000e+00 : f32
      %add3A_159 = vector.broadcast %add3A_158 : f32 to vector<16xf32>
      %add3A_160 = arith.addf %sub3A_157, %add3A_159 : vector<16xf32>
      %mul3A_161 = arith.constant 5.000000e-01 : f32
      %mul3A_162 = vector.broadcast %mul3A_161 : f32 to vector<16xf32>
      %mul3A_163 = arith.mulf %mul3A_162, %add3A_156 : vector<16xf32>
      %add3A_164 = arith.addf %get3A_146, %mul3A_163 : vector<16xf32>
      %mul3A_165 = arith.constant 5.000000e-01 : f32
      %mul3A_166 = vector.broadcast %mul3A_165 : f32 to vector<16xf32>
      %mul3A_167 = arith.mulf %mul3A_166, %add3A_160 : vector<16xf32>
      %add3A_168 = arith.addf %get3A_148, %mul3A_167 : vector<16xf32>
      %get3A_169 = arith.index_cast %mul3A_145 : i32 to index
      %get3A_170 = tpu.vector_load %arg8[%get3A_169] {strides = array<i32>} : memref<1280xf32, #tpu.memory_space<vmem>>, vector<16xf32>,
      %mul3A_171 = arith.mulf %get3A_170, %add3A_156 : vector<16xf32>
      %add3A_172 = arith.addf %mul3A_171, %add3A_164 : vector<16xf32>
      %get3A_173 = arith.index_cast %mul3A_145 : i32 to index
      %get3A_174 = tpu.vector_load %arg9[%get3A_173] {strides = array<i32>} : memref<1280xf32, #tpu.memory_space<vmem>>, vector<16xf32>,
      %mul3A_175 = arith.mulf %get3A_174, %add3A_160 : vector<16xf32>
      %add3A_176 = arith.addf %mul3A_175, %add3A_168 : vector<16xf32>
      %get3A_177 = arith.index_cast %mul3A_145 : i32 to index
      %get3A_178 = tpu.vector_load %arg10[%get3A_177] {strides = array<i32>} : memref<1280xf32, #tpu.memory_space<vmem>>, vector<16xf32>,
      %exp3A = math.exp %get3A_178 : vector<16xf32>
      %mul3A_179 = arith.mulf %exp3A, %add3A_156 : vector<16xf32>
      %get3A_180 = arith.index_cast %mul3A_145 : i32 to index
      %get3A_181 = tpu.vector_load %arg11[%get3A_180] {strides = array<i32>} : memref<1280xf32, #tpu.memory_space<vmem>>, vector<16xf32>,
      %exp3A_182 = math.exp %get3A_181 : vector<16xf32>
      %mul3A_183 = arith.mulf %exp3A_182, %add3A_160 : vector<16xf32>
      %mul3A_184 = arith.constant 5.000000e-01 : f32
      %mul3A_185 = vector.broadcast %mul3A_184 : f32 to vector<16xf32>
      %mul3A_186 = arith.mulf %mul3A_185, %mul3A_179 : vector<16xf32>
      %sub3A_187 = arith.subf %add3A_172, %mul3A_186 : vector<16xf32>
      %jit3A_188 = arith.constant 0.000000e+00 : f32
      %jit3A_189 = arith.constant 1.024000e+03 : f32
      %max3A = vector.broadcast %jit3A_188 : f32 to vector<16xf32>
      %max3A_190 = arith.maximumf %max3A, %sub3A_187 : vector<16xf32>
      %min3A = vector.broadcast %jit3A_189 : f32 to vector<16xf32>
      %min3A_191 = arith.minimumf %min3A, %max3A_190 : vector<16xf32>
      %mul3A_192 = arith.constant 5.000000e-01 : f32
      %mul3A_193 = vector.broadcast %mul3A_192 : f32 to vector<16xf32>
      %mul3A_194 = arith.mulf %mul3A_193, %mul3A_183 : vector<16xf32>
      %sub3A_195 = arith.subf %add3A_176, %mul3A_194 : vector<16xf32>
      %jit3A_196 = arith.constant 0.000000e+00 : f32
      %jit3A_197 = arith.constant 1.024000e+03 : f32
      %max3A_198 = vector.broadcast %jit3A_196 : f32 to vector<16xf32>
      %max3A_199 = arith.maximumf %max3A_198, %sub3A_195 : vector<16xf32>
      %min3A_200 = vector.broadcast %jit3A_197 : f32 to vector<16xf32>
      %min3A_201 = arith.minimumf %min3A_200, %max3A_199 : vector<16xf32>
      %mul3A_202 = arith.constant 5.000000e-01 : f32
      %mul3A_203 = vector.broadcast %mul3A_202 : f32 to vector<16xf32>
      %mul3A_204 = arith.mulf %mul3A_203, %mul3A_179 : vector<16xf32>
      %add3A_205 = arith.addf %add3A_172, %mul3A_204 : vector<16xf32>
      %jit3A_206 = arith.constant 0.000000e+00 : f32
      %jit3A_207 = arith.constant 1.024000e+03 : f32
      %max3A_208 = vector.broadcast %jit3A_206 : f32 to vector<16xf32>
      %max3A_209 = arith.maximumf %max3A_208, %add3A_205 : vector<16xf32>
      %min3A_210 = vector.broadcast %jit3A_207 : f32 to vector<16xf32>
      %min3A_211 = arith.minimumf %min3A_210, %max3A_209 : vector<16xf32>
      %mul3A_212 = arith.constant 5.000000e-01 : f32
      %mul3A_213 = vector.broadcast %mul3A_212 : f32 to vector<16xf32>
      %mul3A_214 = arith.mulf %mul3A_213, %mul3A_183 : vector<16xf32>
      %add3A_215 = arith.addf %add3A_176, %mul3A_214 : vector<16xf32>
      %jit3A_216 = arith.constant 0.000000e+00 : f32
      %jit3A_217 = arith.constant 1.024000e+03 : f32
      %max3A_218 = vector.broadcast %jit3A_216 : f32 to vector<16xf32>
      %max3A_219 = arith.maximumf %max3A_218, %add3A_215 : vector<16xf32>
      %min3A_220 = vector.broadcast %jit3A_217 : f32 to vector<16xf32>
      %min3A_221 = arith.minimumf %min3A_220, %max3A_219 : vector<16xf32>
      %sub3A_222 = arith.subf %min3A_211, %min3A_191 : vector<16xf32>
      %max3A_223 = arith.constant 0.000000e+00 : f32
      %max3A_224 = vector.broadcast %max3A_223 : f32 to vector<16xf32>
      %max3A_225 = arith.maximumf %sub3A_222, %max3A_224 : vector<16xf32>
      %sub3A_226 = arith.subf %min3A_221, %min3A_201 : vector<16xf32>
      %max3A_227 = arith.constant 0.000000e+00 : f32
      %max3A_228 = vector.broadcast %max3A_227 : f32 to vector<16xf32>
      %max3A_229 = arith.maximumf %sub3A_226, %max3A_228 : vector<16xf32>
      %mul3A_230 = arith.mulf %max3A_225, %max3A_229 : vector<16xf32>
      %swap3A = arith.index_cast %mul3A_145 : i32 to index
      %swap3A_231 = tpu.vector_load %arg4[%swap3A] {strides = array<i32>} : memref<1280xf32, #tpu.memory_space<vmem>>, vector<16xf32>,
      tpu.vector_store %arg4[%swap3A], %min3A_191 {strides = array<i32>} : memref<1280xf32, #tpu.memory_space<vmem>>, vector<16xf32>,
      %swap3A_232 = arith.index_cast %mul3A_145 : i32 to index
      %swap3A_233 = tpu.vector_load %arg5[%swap3A_232] {strides = array<i32>} : memref<1280xf32, #tpu.memory_space<vmem>>, vector<16xf32>,
      tpu.vector_store %arg5[%swap3A_232], %min3A_201 {strides = array<i32>} : memref<1280xf32, #tpu.memory_space<vmem>>, vector<16xf32>,
      %swap3A_234 = arith.index_cast %mul3A_145 : i32 to index
      %swap3A_235 = tpu.vector_load %arg6[%swap3A_234] {strides = array<i32>} : memref<1280xf32, #tpu.memory_space<vmem>>, vector<16xf32>,
      tpu.vector_store %arg6[%swap3A_234], %min3A_211 {strides = array<i32>} : memref<1280xf32, #tpu.memory_space<vmem>>, vector<16xf32>,
      %swap3A_236 = arith.index_cast %mul3A_145 : i32 to index
      %swap3A_237 = tpu.vector_load %arg7[%swap3A_236] {strides = array<i32>} : memref<1280xf32, #tpu.memory_space<vmem>>, vector<16xf32>,
      tpu.vector_store %arg7[%swap3A_236], %min3A_221 {strides = array<i32>} : memref<1280xf32, #tpu.memory_space<vmem>>, vector<16xf32>,
      %swap3A_238 = arith.index_cast %mul3A_145 : i32 to index
      %swap3A_239 = tpu.vector_load %arg12[%swap3A_238] {strides = array<i32>} : memref<1280xf32, #tpu.memory_space<vmem>>, vector<16xf32>,
      tpu.vector_store %arg12[%swap3A_238], %mul3A_230 {strides = array<i32>} : memref<1280xf32, #tpu.memory_space<vmem>>, vector<16xf32>,
      %mul3A_240 = arith.constant 16 : i32
      %mul3A_241 = arith.muli %add3A_143, %mul3A_240 : i32
      %convert_element_type3A_242 = arith.sitofp %mul3A_241 : i32 to f32
      %add3A_243 = arith.addf %mul3A_3, %convert_element_type3A_242 : f32
      %add3A_244 = vector.broadcast %add3A_243 : f32 to vector<16xf32>
      %add3A_245 = arith.addf %add3A_244, %convert_element_type3A : vector<16xf32>
      %get3A_246 = arith.index_cast %mul3A_145 : i32 to index
      %get3A_247 = tpu.vector_load %arg13[%get3A_246] {strides = array<i32>} : memref<1280xf32, #tpu.memory_space<vmem>>, vector<16xf32>,
      %gt3A = arith.cmpf ogt, %get3A_247, %scan3A_136 : vector<16xf32>
      %gt3A_248 = arith.cmpf ogt, %get3A_247, %scan3A_138 : vector<16xf32>
      %select_n3A_249 = arith.select %gt3A_248, %get3A_247, %scan3A_138 : vector<16xi1>, vector<16xf32>
      %select_n3A_250 = arith.select %gt3A, %scan3A_136, %select_n3A_249 : vector<16xi1>, vector<16xf32>
      %select_n3A_251 = arith.select %gt3A_248, %add3A_245, %scan3A_139 : vector<16xi1>, vector<16xf32>
      %select_n3A_252 = arith.select %gt3A, %scan3A_137, %select_n3A_251 : vector<16xi1>, vector<16xf32>
      %select_n3A_253 = arith.select %gt3A, %get3A_247, %scan3A_136 : vector<16xi1>, vector<16xf32>
      %select_n3A_254 = arith.select %gt3A, %add3A_245, %scan3A_137 : vector<16xi1>, vector<16xf32>
      %mul3A_255 = arith.constant 4 : i32
      %mul3A_256 = arith.muli %scan3A_135, %mul3A_255 : i32
      %add3A_257 = arith.constant 1 : i32
      %add3A_258 = arith.addi %mul3A_256, %add3A_257 : i32
      %mul3A_259 = arith.constant 16 : i32
      %mul3A_260 = arith.muli %add3A_258, %mul3A_259 : i32
      %get3A_261 = arith.index_cast %mul3A_260 : i32 to index
      %get3A_262 = tpu.vector_load %arg4[%get3A_261] {strides = array<i32>} : memref<1280xf32, #tpu.memory_space<vmem>>, vector<16xf32>,
      %get3A_263 = arith.index_cast %mul3A_260 : i32 to index
      %get3A_264 = tpu.vector_load %arg5[%get3A_263] {strides = array<i32>} : memref<1280xf32, #tpu.memory_space<vmem>>, vector<16xf32>,
      %get3A_265 = arith.index_cast %mul3A_260 : i32 to index
      %get3A_266 = tpu.vector_load %arg6[%get3A_265] {strides = array<i32>} : memref<1280xf32, #tpu.memory_space<vmem>>, vector<16xf32>,
      %get3A_267 = arith.index_cast %mul3A_260 : i32 to index
      %get3A_268 = tpu.vector_load %arg7[%get3A_267] {strides = array<i32>} : memref<1280xf32, #tpu.memory_space<vmem>>, vector<16xf32>,
      %sub3A_269 = arith.subf %get3A_266, %get3A_262 : vector<16xf32>
      %add3A_270 = arith.constant 1.000000e+00 : f32
      %add3A_271 = vector.broadcast %add3A_270 : f32 to vector<16xf32>
      %add3A_272 = arith.addf %sub3A_269, %add3A_271 : vector<16xf32>
      %sub3A_273 = arith.subf %get3A_268, %get3A_264 : vector<16xf32>
      %add3A_274 = arith.constant 1.000000e+00 : f32
      %add3A_275 = vector.broadcast %add3A_274 : f32 to vector<16xf32>
      %add3A_276 = arith.addf %sub3A_273, %add3A_275 : vector<16xf32>
      %mul3A_277 = arith.constant 5.000000e-01 : f32
      %mul3A_278 = vector.broadcast %mul3A_277 : f32 to vector<16xf32>
      %mul3A_279 = arith.mulf %mul3A_278, %add3A_272 : vector<16xf32>
      %add3A_280 = arith.addf %get3A_262, %mul3A_279 : vector<16xf32>
      %mul3A_281 = arith.constant 5.000000e-01 : f32
      %mul3A_282 = vector.broadcast %mul3A_281 : f32 to vector<16xf32>
      %mul3A_283 = arith.mulf %mul3A_282, %add3A_276 : vector<16xf32>
      %add3A_284 = arith.addf %get3A_264, %mul3A_283 : vector<16xf32>
      %get3A_285 = arith.index_cast %mul3A_260 : i32 to index
      %get3A_286 = tpu.vector_load %arg8[%get3A_285] {strides = array<i32>} : memref<1280xf32, #tpu.memory_space<vmem>>, vector<16xf32>,
      %mul3A_287 = arith.mulf %get3A_286, %add3A_272 : vector<16xf32>
      %add3A_288 = arith.addf %mul3A_287, %add3A_280 : vector<16xf32>
      %get3A_289 = arith.index_cast %mul3A_260 : i32 to index
      %get3A_290 = tpu.vector_load %arg9[%get3A_289] {strides = array<i32>} : memref<1280xf32, #tpu.memory_space<vmem>>, vector<16xf32>,
      %mul3A_291 = arith.mulf %get3A_290, %add3A_276 : vector<16xf32>
      %add3A_292 = arith.addf %mul3A_291, %add3A_284 : vector<16xf32>
      %get3A_293 = arith.index_cast %mul3A_260 : i32 to index
      %get3A_294 = tpu.vector_load %arg10[%get3A_293] {strides = array<i32>} : memref<1280xf32, #tpu.memory_space<vmem>>, vector<16xf32>,
      %exp3A_295 = math.exp %get3A_294 : vector<16xf32>
      %mul3A_296 = arith.mulf %exp3A_295, %add3A_272 : vector<16xf32>
      %get3A_297 = arith.index_cast %mul3A_260 : i32 to index
      %get3A_298 = tpu.vector_load %arg11[%get3A_297] {strides = array<i32>} : memref<1280xf32, #tpu.memory_space<vmem>>, vector<16xf32>,
      %exp3A_299 = math.exp %get3A_298 : vector<16xf32>
      %mul3A_300 = arith.mulf %exp3A_299, %add3A_276 : vector<16xf32>
      %mul3A_301 = arith.constant 5.000000e-01 : f32
      %mul3A_302 = vector.broadcast %mul3A_301 : f32 to vector<16xf32>
      %mul3A_303 = arith.mulf %mul3A_302, %mul3A_296 : vector<16xf32>
      %sub3A_304 = arith.subf %add3A_288, %mul3A_303 : vector<16xf32>
      %jit3A_305 = arith.constant 0.000000e+00 : f32
      %jit3A_306 = arith.constant 1.024000e+03 : f32
      %max3A_307 = vector.broadcast %jit3A_305 : f32 to vector<16xf32>
      %max3A_308 = arith.maximumf %max3A_307, %sub3A_304 : vector<16xf32>
      %min3A_309 = vector.broadcast %jit3A_306 : f32 to vector<16xf32>
      %min3A_310 = arith.minimumf %min3A_309, %max3A_308 : vector<16xf32>
      %mul3A_311 = arith.constant 5.000000e-01 : f32
      %mul3A_312 = vector.broadcast %mul3A_311 : f32 to vector<16xf32>
      %mul3A_313 = arith.mulf %mul3A_312, %mul3A_300 : vector<16xf32>
      %sub3A_314 = arith.subf %add3A_292, %mul3A_313 : vector<16xf32>
      %jit3A_315 = arith.constant 0.000000e+00 : f32
      %jit3A_316 = arith.constant 1.024000e+03 : f32
      %max3A_317 = vector.broadcast %jit3A_315 : f32 to vector<16xf32>
      %max3A_318 = arith.maximumf %max3A_317, %sub3A_314 : vector<16xf32>
      %min3A_319 = vector.broadcast %jit3A_316 : f32 to vector<16xf32>
      %min3A_320 = arith.minimumf %min3A_319, %max3A_318 : vector<16xf32>
      %mul3A_321 = arith.constant 5.000000e-01 : f32
      %mul3A_322 = vector.broadcast %mul3A_321 : f32 to vector<16xf32>
      %mul3A_323 = arith.mulf %mul3A_322, %mul3A_296 : vector<16xf32>
      %add3A_324 = arith.addf %add3A_288, %mul3A_323 : vector<16xf32>
      %jit3A_325 = arith.constant 0.000000e+00 : f32
      %jit3A_326 = arith.constant 1.024000e+03 : f32
      %max3A_327 = vector.broadcast %jit3A_325 : f32 to vector<16xf32>
      %max3A_328 = arith.maximumf %max3A_327, %add3A_324 : vector<16xf32>
      %min3A_329 = vector.broadcast %jit3A_326 : f32 to vector<16xf32>
      %min3A_330 = arith.minimumf %min3A_329, %max3A_328 : vector<16xf32>
      %mul3A_331 = arith.constant 5.000000e-01 : f32
      %mul3A_332 = vector.broadcast %mul3A_331 : f32 to vector<16xf32>
      %mul3A_333 = arith.mulf %mul3A_332, %mul3A_300 : vector<16xf32>
      %add3A_334 = arith.addf %add3A_292, %mul3A_333 : vector<16xf32>
      %jit3A_335 = arith.constant 0.000000e+00 : f32
      %jit3A_336 = arith.constant 1.024000e+03 : f32
      %max3A_337 = vector.broadcast %jit3A_335 : f32 to vector<16xf32>
      %max3A_338 = arith.maximumf %max3A_337, %add3A_334 : vector<16xf32>
      %min3A_339 = vector.broadcast %jit3A_336 : f32 to vector<16xf32>
      %min3A_340 = arith.minimumf %min3A_339, %max3A_338 : vector<16xf32>
      %sub3A_341 = arith.subf %min3A_330, %min3A_310 : vector<16xf32>
      %max3A_342 = arith.constant 0.000000e+00 : f32
      %max3A_343 = vector.broadcast %max3A_342 : f32 to vector<16xf32>
      %max3A_344 = arith.maximumf %sub3A_341, %max3A_343 : vector<16xf32>
      %sub3A_345 = arith.subf %min3A_340, %min3A_320 : vector<16xf32>
      %max3A_346 = arith.constant 0.000000e+00 : f32
      %max3A_347 = vector.broadcast %max3A_346 : f32 to vector<16xf32>
      %max3A_348 = arith.maximumf %sub3A_345, %max3A_347 : vector<16xf32>
      %mul3A_349 = arith.mulf %max3A_344, %max3A_348 : vector<16xf32>
      %swap3A_350 = arith.index_cast %mul3A_260 : i32 to index
      %swap3A_351 = tpu.vector_load %arg4[%swap3A_350] {strides = array<i32>} : memref<1280xf32, #tpu.memory_space<vmem>>, vector<16xf32>,
      tpu.vector_store %arg4[%swap3A_350], %min3A_310 {strides = array<i32>} : memref<1280xf32, #tpu.memory_space<vmem>>, vector<16xf32>,
      %swap3A_352 = arith.index_cast %mul3A_260 : i32 to index
      %swap3A_353 = tpu.vector_load %arg5[%swap3A_352] {strides = array<i32>} : memref<1280xf32, #tpu.memory_space<vmem>>, vector<16xf32>,
      tpu.vector_store %arg5[%swap3A_352], %min3A_320 {strides = array<i32>} : memref<1280xf32, #tpu.memory_space<vmem>>, vector<16xf32>,
      %swap3A_354 = arith.index_cast %mul3A_260 : i32 to index
      %swap3A_355 = tpu.vector_load %arg6[%swap3A_354] {strides = array<i32>} : memref<1280xf32, #tpu.memory_space<vmem>>, vector<16xf32>,
      tpu.vector_store %arg6[%swap3A_354], %min3A_330 {strides = array<i32>} : memref<1280xf32, #tpu.memory_space<vmem>>, vector<16xf32>,
      %swap3A_356 = arith.index_cast %mul3A_260 : i32 to index
      %swap3A_357 = tpu.vector_load %arg7[%swap3A_356] {strides = array<i32>} : memref<1280xf32, #tpu.memory_space<vmem>>, vector<16xf32>,
      tpu.vector_store %arg7[%swap3A_356], %min3A_340 {strides = array<i32>} : memref<1280xf32, #tpu.memory_space<vmem>>, vector<16xf32>,
      %swap3A_358 = arith.index_cast %mul3A_260 : i32 to index
      %swap3A_359 = tpu.vector_load %arg12[%swap3A_358] {strides = array<i32>} : memref<1280xf32, #tpu.memory_space<vmem>>, vector<16xf32>,
      tpu.vector_store %arg12[%swap3A_358], %mul3A_349 {strides = array<i32>} : memref<1280xf32, #tpu.memory_space<vmem>>, vector<16xf32>,
      %mul3A_360 = arith.constant 16 : i32
      %mul3A_361 = arith.muli %add3A_258, %mul3A_360 : i32
      %convert_element_type3A_362 = arith.sitofp %mul3A_361 : i32 to f32
      %add3A_363 = arith.addf %mul3A_3, %convert_element_type3A_362 : f32
      %add3A_364 = vector.broadcast %add3A_363 : f32 to vector<16xf32>
      %add3A_365 = arith.addf %add3A_364, %convert_element_type3A : vector<16xf32>
      %get3A_366 = arith.index_cast %mul3A_260 : i32 to index
      %get3A_367 = tpu.vector_load %arg13[%get3A_366] {strides = array<i32>} : memref<1280xf32, #tpu.memory_space<vmem>>, vector<16xf32>,
      %gt3A_368 = arith.cmpf ogt, %get3A_367, %select_n3A_253 : vector<16xf32>
      %gt3A_369 = arith.cmpf ogt, %get3A_367, %select_n3A_250 : vector<16xf32>
      %select_n3A_370 = arith.select %gt3A_369, %get3A_367, %select_n3A_250 : vector<16xi1>, vector<16xf32>
      %select_n3A_371 = arith.select %gt3A_368, %select_n3A_253, %select_n3A_370 : vector<16xi1>, vector<16xf32>
      %select_n3A_372 = arith.select %gt3A_369, %add3A_365, %select_n3A_252 : vector<16xi1>, vector<16xf32>
      %select_n3A_373 = arith.select %gt3A_368, %select_n3A_254, %select_n3A_372 : vector<16xi1>, vector<16xf32>
      %select_n3A_374 = arith.select %gt3A_368, %get3A_367, %select_n3A_253 : vector<16xi1>, vector<16xf32>
      %select_n3A_375 = arith.select %gt3A_368, %add3A_365, %select_n3A_254 : vector<16xi1>, vector<16xf32>
      %mul3A_376 = arith.constant 4 : i32
      %mul3A_377 = arith.muli %scan3A_135, %mul3A_376 : i32
      %add3A_378 = arith.constant 2 : i32
      %add3A_379 = arith.addi %mul3A_377, %add3A_378 : i32
      %mul3A_380 = arith.constant 16 : i32
      %mul3A_381 = arith.muli %add3A_379, %mul3A_380 : i32
      %get3A_382 = arith.index_cast %mul3A_381 : i32 to index
      %get3A_383 = tpu.vector_load %arg4[%get3A_382] {strides = array<i32>} : memref<1280xf32, #tpu.memory_space<vmem>>, vector<16xf32>,
      %get3A_384 = arith.index_cast %mul3A_381 : i32 to index
      %get3A_385 = tpu.vector_load %arg5[%get3A_384] {strides = array<i32>} : memref<1280xf32, #tpu.memory_space<vmem>>, vector<16xf32>,
      %get3A_386 = arith.index_cast %mul3A_381 : i32 to index
      %get3A_387 = tpu.vector_load %arg6[%get3A_386] {strides = array<i32>} : memref<1280xf32, #tpu.memory_space<vmem>>, vector<16xf32>,
      %get3A_388 = arith.index_cast %mul3A_381 : i32 to index
      %get3A_389 = tpu.vector_load %arg7[%get3A_388] {strides = array<i32>} : memref<1280xf32, #tpu.memory_space<vmem>>, vector<16xf32>,
      %sub3A_390 = arith.subf %get3A_387, %get3A_383 : vector<16xf32>
      %add3A_391 = arith.constant 1.000000e+00 : f32
      %add3A_392 = vector.broadcast %add3A_391 : f32 to vector<16xf32>
      %add3A_393 = arith.addf %sub3A_390, %add3A_392 : vector<16xf32>
      %sub3A_394 = arith.subf %get3A_389, %get3A_385 : vector<16xf32>
      %add3A_395 = arith.constant 1.000000e+00 : f32
      %add3A_396 = vector.broadcast %add3A_395 : f32 to vector<16xf32>
      %add3A_397 = arith.addf %sub3A_394, %add3A_396 : vector<16xf32>
      %mul3A_398 = arith.constant 5.000000e-01 : f32
      %mul3A_399 = vector.broadcast %mul3A_398 : f32 to vector<16xf32>
      %mul3A_400 = arith.mulf %mul3A_399, %add3A_393 : vector<16xf32>
      %add3A_401 = arith.addf %get3A_383, %mul3A_400 : vector<16xf32>
      %mul3A_402 = arith.constant 5.000000e-01 : f32
      %mul3A_403 = vector.broadcast %mul3A_402 : f32 to vector<16xf32>
      %mul3A_404 = arith.mulf %mul3A_403, %add3A_397 : vector<16xf32>
      %add3A_405 = arith.addf %get3A_385, %mul3A_404 : vector<16xf32>
      %get3A_406 = arith.index_cast %mul3A_381 : i32 to index
      %get3A_407 = tpu.vector_load %arg8[%get3A_406] {strides = array<i32>} : memref<1280xf32, #tpu.memory_space<vmem>>, vector<16xf32>,
      %mul3A_408 = arith.mulf %get3A_407, %add3A_393 : vector<16xf32>
      %add3A_409 = arith.addf %mul3A_408, %add3A_401 : vector<16xf32>
      %get3A_410 = arith.index_cast %mul3A_381 : i32 to index
      %get3A_411 = tpu.vector_load %arg9[%get3A_410] {strides = array<i32>} : memref<1280xf32, #tpu.memory_space<vmem>>, vector<16xf32>,
      %mul3A_412 = arith.mulf %get3A_411, %add3A_397 : vector<16xf32>
      %add3A_413 = arith.addf %mul3A_412, %add3A_405 : vector<16xf32>
      %get3A_414 = arith.index_cast %mul3A_381 : i32 to index
      %get3A_415 = tpu.vector_load %arg10[%get3A_414] {strides = array<i32>} : memref<1280xf32, #tpu.memory_space<vmem>>, vector<16xf32>,
      %exp3A_416 = math.exp %get3A_415 : vector<16xf32>
      %mul3A_417 = arith.mulf %exp3A_416, %add3A_393 : vector<16xf32>
      %get3A_418 = arith.index_cast %mul3A_381 : i32 to index
      %get3A_419 = tpu.vector_load %arg11[%get3A_418] {strides = array<i32>} : memref<1280xf32, #tpu.memory_space<vmem>>, vector<16xf32>,
      %exp3A_420 = math.exp %get3A_419 : vector<16xf32>
      %mul3A_421 = arith.mulf %exp3A_420, %add3A_397 : vector<16xf32>
      %mul3A_422 = arith.constant 5.000000e-01 : f32
      %mul3A_423 = vector.broadcast %mul3A_422 : f32 to vector<16xf32>
      %mul3A_424 = arith.mulf %mul3A_423, %mul3A_417 : vector<16xf32>
      %sub3A_425 = arith.subf %add3A_409, %mul3A_424 : vector<16xf32>
      %jit3A_426 = arith.constant 0.000000e+00 : f32
      %jit3A_427 = arith.constant 1.024000e+03 : f32
      %max3A_428 = vector.broadcast %jit3A_426 : f32 to vector<16xf32>
      %max3A_429 = arith.maximumf %max3A_428, %sub3A_425 : vector<16xf32>
      %min3A_430 = vector.broadcast %jit3A_427 : f32 to vector<16xf32>
      %min3A_431 = arith.minimumf %min3A_430, %max3A_429 : vector<16xf32>
      %mul3A_432 = arith.constant 5.000000e-01 : f32
      %mul3A_433 = vector.broadcast %mul3A_432 : f32 to vector<16xf32>
      %mul3A_434 = arith.mulf %mul3A_433, %mul3A_421 : vector<16xf32>
      %sub3A_435 = arith.subf %add3A_413, %mul3A_434 : vector<16xf32>
      %jit3A_436 = arith.constant 0.000000e+00 : f32
      %jit3A_437 = arith.constant 1.024000e+03 : f32
      %max3A_438 = vector.broadcast %jit3A_436 : f32 to vector<16xf32>
      %max3A_439 = arith.maximumf %max3A_438, %sub3A_435 : vector<16xf32>
      %min3A_440 = vector.broadcast %jit3A_437 : f32 to vector<16xf32>
      %min3A_441 = arith.minimumf %min3A_440, %max3A_439 : vector<16xf32>
      %mul3A_442 = arith.constant 5.000000e-01 : f32
      %mul3A_443 = vector.broadcast %mul3A_442 : f32 to vector<16xf32>
      %mul3A_444 = arith.mulf %mul3A_443, %mul3A_417 : vector<16xf32>
      %add3A_445 = arith.addf %add3A_409, %mul3A_444 : vector<16xf32>
      %jit3A_446 = arith.constant 0.000000e+00 : f32
      %jit3A_447 = arith.constant 1.024000e+03 : f32
      %max3A_448 = vector.broadcast %jit3A_446 : f32 to vector<16xf32>
      %max3A_449 = arith.maximumf %max3A_448, %add3A_445 : vector<16xf32>
      %min3A_450 = vector.broadcast %jit3A_447 : f32 to vector<16xf32>
      %min3A_451 = arith.minimumf %min3A_450, %max3A_449 : vector<16xf32>
      %mul3A_452 = arith.constant 5.000000e-01 : f32
      %mul3A_453 = vector.broadcast %mul3A_452 : f32 to vector<16xf32>
      %mul3A_454 = arith.mulf %mul3A_453, %mul3A_421 : vector<16xf32>
      %add3A_455 = arith.addf %add3A_413, %mul3A_454 : vector<16xf32>
      %jit3A_456 = arith.constant 0.000000e+00 : f32
      %jit3A_457 = arith.constant 1.024000e+03 : f32
      %max3A_458 = vector.broadcast %jit3A_456 : f32 to vector<16xf32>
      %max3A_459 = arith.maximumf %max3A_458, %add3A_455 : vector<16xf32>
      %min3A_460 = vector.broadcast %jit3A_457 : f32 to vector<16xf32>
      %min3A_461 = arith.minimumf %min3A_460, %max3A_459 : vector<16xf32>
      %sub3A_462 = arith.subf %min3A_451, %min3A_431 : vector<16xf32>
      %max3A_463 = arith.constant 0.000000e+00 : f32
      %max3A_464 = vector.broadcast %max3A_463 : f32 to vector<16xf32>
      %max3A_465 = arith.maximumf %sub3A_462, %max3A_464 : vector<16xf32>
      %sub3A_466 = arith.subf %min3A_461, %min3A_441 : vector<16xf32>
      %max3A_467 = arith.constant 0.000000e+00 : f32
      %max3A_468 = vector.broadcast %max3A_467 : f32 to vector<16xf32>
      %max3A_469 = arith.maximumf %sub3A_466, %max3A_468 : vector<16xf32>
      %mul3A_470 = arith.mulf %max3A_465, %max3A_469 : vector<16xf32>
      %swap3A_471 = arith.index_cast %mul3A_381 : i32 to index
      %swap3A_472 = tpu.vector_load %arg4[%swap3A_471] {strides = array<i32>} : memref<1280xf32, #tpu.memory_space<vmem>>, vector<16xf32>,
      tpu.vector_store %arg4[%swap3A_471], %min3A_431 {strides = array<i32>} : memref<1280xf32, #tpu.memory_space<vmem>>, vector<16xf32>,
      %swap3A_473 = arith.index_cast %mul3A_381 : i32 to index
      %swap3A_474 = tpu.vector_load %arg5[%swap3A_473] {strides = array<i32>} : memref<1280xf32, #tpu.memory_space<vmem>>, vector<16xf32>,
      tpu.vector_store %arg5[%swap3A_473], %min3A_441 {strides = array<i32>} : memref<1280xf32, #tpu.memory_space<vmem>>, vector<16xf32>,
      %swap3A_475 = arith.index_cast %mul3A_381 : i32 to index
      %swap3A_476 = tpu.vector_load %arg6[%swap3A_475] {strides = array<i32>} : memref<1280xf32, #tpu.memory_space<vmem>>, vector<16xf32>,
      tpu.vector_store %arg6[%swap3A_475], %min3A_451 {strides = array<i32>} : memref<1280xf32, #tpu.memory_space<vmem>>, vector<16xf32>,
      %swap3A_477 = arith.index_cast %mul3A_381 : i32 to index
      %swap3A_478 = tpu.vector_load %arg7[%swap3A_477] {strides = array<i32>} : memref<1280xf32, #tpu.memory_space<vmem>>, vector<16xf32>,
      tpu.vector_store %arg7[%swap3A_477], %min3A_461 {strides = array<i32>} : memref<1280xf32, #tpu.memory_space<vmem>>, vector<16xf32>,
      %swap3A_479 = arith.index_cast %mul3A_381 : i32 to index
      %swap3A_480 = tpu.vector_load %arg12[%swap3A_479] {strides = array<i32>} : memref<1280xf32, #tpu.memory_space<vmem>>, vector<16xf32>,
      tpu.vector_store %arg12[%swap3A_479], %mul3A_470 {strides = array<i32>} : memref<1280xf32, #tpu.memory_space<vmem>>, vector<16xf32>,
      %mul3A_481 = arith.constant 16 : i32
      %mul3A_482 = arith.muli %add3A_379, %mul3A_481 : i32
      %convert_element_type3A_483 = arith.sitofp %mul3A_482 : i32 to f32
      %add3A_484 = arith.addf %mul3A_3, %convert_element_type3A_483 : f32
      %add3A_485 = vector.broadcast %add3A_484 : f32 to vector<16xf32>
      %add3A_486 = arith.addf %add3A_485, %convert_element_type3A : vector<16xf32>
      %get3A_487 = arith.index_cast %mul3A_381 : i32 to index
      %get3A_488 = tpu.vector_load %arg13[%get3A_487] {strides = array<i32>} : memref<1280xf32, #tpu.memory_space<vmem>>, vector<16xf32>,
      %gt3A_489 = arith.cmpf ogt, %get3A_488, %select_n3A_374 : vector<16xf32>
      %gt3A_490 = arith.cmpf ogt, %get3A_488, %select_n3A_371 : vector<16xf32>
      %select_n3A_491 = arith.select %gt3A_490, %get3A_488, %select_n3A_371 : vector<16xi1>, vector<16xf32>
      %select_n3A_492 = arith.select %gt3A_489, %select_n3A_374, %select_n3A_491 : vector<16xi1>, vector<16xf32>
      %select_n3A_493 = arith.select %gt3A_490, %add3A_486, %select_n3A_373 : vector<16xi1>, vector<16xf32>
      %select_n3A_494 = arith.select %gt3A_489, %select_n3A_375, %select_n3A_493 : vector<16xi1>, vector<16xf32>
      %select_n3A_495 = arith.select %gt3A_489, %get3A_488, %select_n3A_374 : vector<16xi1>, vector<16xf32>
      %select_n3A_496 = arith.select %gt3A_489, %add3A_486, %select_n3A_375 : vector<16xi1>, vector<16xf32>
      %mul3A_497 = arith.constant 4 : i32
      %mul3A_498 = arith.muli %scan3A_135, %mul3A_497 : i32
      %add3A_499 = arith.constant 3 : i32
      %add3A_500 = arith.addi %mul3A_498, %add3A_499 : i32
      %mul3A_501 = arith.constant 16 : i32
      %mul3A_502 = arith.muli %add3A_500, %mul3A_501 : i32
      %get3A_503 = arith.index_cast %mul3A_502 : i32 to index
      %get3A_504 = tpu.vector_load %arg4[%get3A_503] {strides = array<i32>} : memref<1280xf32, #tpu.memory_space<vmem>>, vector<16xf32>,
      %get3A_505 = arith.index_cast %mul3A_502 : i32 to index
      %get3A_506 = tpu.vector_load %arg5[%get3A_505] {strides = array<i32>} : memref<1280xf32, #tpu.memory_space<vmem>>, vector<16xf32>,
      %get3A_507 = arith.index_cast %mul3A_502 : i32 to index
      %get3A_508 = tpu.vector_load %arg6[%get3A_507] {strides = array<i32>} : memref<1280xf32, #tpu.memory_space<vmem>>, vector<16xf32>,
      %get3A_509 = arith.index_cast %mul3A_502 : i32 to index
      %get3A_510 = tpu.vector_load %arg7[%get3A_509] {strides = array<i32>} : memref<1280xf32, #tpu.memory_space<vmem>>, vector<16xf32>,
      %sub3A_511 = arith.subf %get3A_508, %get3A_504 : vector<16xf32>
      %add3A_512 = arith.constant 1.000000e+00 : f32
      %add3A_513 = vector.broadcast %add3A_512 : f32 to vector<16xf32>
      %add3A_514 = arith.addf %sub3A_511, %add3A_513 : vector<16xf32>
      %sub3A_515 = arith.subf %get3A_510, %get3A_506 : vector<16xf32>
      %add3A_516 = arith.constant 1.000000e+00 : f32
      %add3A_517 = vector.broadcast %add3A_516 : f32 to vector<16xf32>
      %add3A_518 = arith.addf %sub3A_515, %add3A_517 : vector<16xf32>
      %mul3A_519 = arith.constant 5.000000e-01 : f32
      %mul3A_520 = vector.broadcast %mul3A_519 : f32 to vector<16xf32>
      %mul3A_521 = arith.mulf %mul3A_520, %add3A_514 : vector<16xf32>
      %add3A_522 = arith.addf %get3A_504, %mul3A_521 : vector<16xf32>
      %mul3A_523 = arith.constant 5.000000e-01 : f32
      %mul3A_524 = vector.broadcast %mul3A_523 : f32 to vector<16xf32>
      %mul3A_525 = arith.mulf %mul3A_524, %add3A_518 : vector<16xf32>
      %add3A_526 = arith.addf %get3A_506, %mul3A_525 : vector<16xf32>
      %get3A_527 = arith.index_cast %mul3A_502 : i32 to index
      %get3A_528 = tpu.vector_load %arg8[%get3A_527] {strides = array<i32>} : memref<1280xf32, #tpu.memory_space<vmem>>, vector<16xf32>,
      %mul3A_529 = arith.mulf %get3A_528, %add3A_514 : vector<16xf32>
      %add3A_530 = arith.addf %mul3A_529, %add3A_522 : vector<16xf32>
      %get3A_531 = arith.index_cast %mul3A_502 : i32 to index
      %get3A_532 = tpu.vector_load %arg9[%get3A_531] {strides = array<i32>} : memref<1280xf32, #tpu.memory_space<vmem>>, vector<16xf32>,
      %mul3A_533 = arith.mulf %get3A_532, %add3A_518 : vector<16xf32>
      %add3A_534 = arith.addf %mul3A_533, %add3A_526 : vector<16xf32>
      %get3A_535 = arith.index_cast %mul3A_502 : i32 to index
      %get3A_536 = tpu.vector_load %arg10[%get3A_535] {strides = array<i32>} : memref<1280xf32, #tpu.memory_space<vmem>>, vector<16xf32>,
      %exp3A_537 = math.exp %get3A_536 : vector<16xf32>
      %mul3A_538 = arith.mulf %exp3A_537, %add3A_514 : vector<16xf32>
      %get3A_539 = arith.index_cast %mul3A_502 : i32 to index
      %get3A_540 = tpu.vector_load %arg11[%get3A_539] {strides = array<i32>} : memref<1280xf32, #tpu.memory_space<vmem>>, vector<16xf32>,
      %exp3A_541 = math.exp %get3A_540 : vector<16xf32>
      %mul3A_542 = arith.mulf %exp3A_541, %add3A_518 : vector<16xf32>
      %mul3A_543 = arith.constant 5.000000e-01 : f32
      %mul3A_544 = vector.broadcast %mul3A_543 : f32 to vector<16xf32>
      %mul3A_545 = arith.mulf %mul3A_544, %mul3A_538 : vector<16xf32>
      %sub3A_546 = arith.subf %add3A_530, %mul3A_545 : vector<16xf32>
      %jit3A_547 = arith.constant 0.000000e+00 : f32
      %jit3A_548 = arith.constant 1.024000e+03 : f32
      %max3A_549 = vector.broadcast %jit3A_547 : f32 to vector<16xf32>
      %max3A_550 = arith.maximumf %max3A_549, %sub3A_546 : vector<16xf32>
      %min3A_551 = vector.broadcast %jit3A_548 : f32 to vector<16xf32>
      %min3A_552 = arith.minimumf %min3A_551, %max3A_550 : vector<16xf32>
      %mul3A_553 = arith.constant 5.000000e-01 : f32
      %mul3A_554 = vector.broadcast %mul3A_553 : f32 to vector<16xf32>
      %mul3A_555 = arith.mulf %mul3A_554, %mul3A_542 : vector<16xf32>
      %sub3A_556 = arith.subf %add3A_534, %mul3A_555 : vector<16xf32>
      %jit3A_557 = arith.constant 0.000000e+00 : f32
      %jit3A_558 = arith.constant 1.024000e+03 : f32
      %max3A_559 = vector.broadcast %jit3A_557 : f32 to vector<16xf32>
      %max3A_560 = arith.maximumf %max3A_559, %sub3A_556 : vector<16xf32>
      %min3A_561 = vector.broadcast %jit3A_558 : f32 to vector<16xf32>
      %min3A_562 = arith.minimumf %min3A_561, %max3A_560 : vector<16xf32>
      %mul3A_563 = arith.constant 5.000000e-01 : f32
      %mul3A_564 = vector.broadcast %mul3A_563 : f32 to vector<16xf32>
      %mul3A_565 = arith.mulf %mul3A_564, %mul3A_538 : vector<16xf32>
      %add3A_566 = arith.addf %add3A_530, %mul3A_565 : vector<16xf32>
      %jit3A_567 = arith.constant 0.000000e+00 : f32
      %jit3A_568 = arith.constant 1.024000e+03 : f32
      %max3A_569 = vector.broadcast %jit3A_567 : f32 to vector<16xf32>
      %max3A_570 = arith.maximumf %max3A_569, %add3A_566 : vector<16xf32>
      %min3A_571 = vector.broadcast %jit3A_568 : f32 to vector<16xf32>
      %min3A_572 = arith.minimumf %min3A_571, %max3A_570 : vector<16xf32>
      %mul3A_573 = arith.constant 5.000000e-01 : f32
      %mul3A_574 = vector.broadcast %mul3A_573 : f32 to vector<16xf32>
      %mul3A_575 = arith.mulf %mul3A_574, %mul3A_542 : vector<16xf32>
      %add3A_576 = arith.addf %add3A_534, %mul3A_575 : vector<16xf32>
      %jit3A_577 = arith.constant 0.000000e+00 : f32
      %jit3A_578 = arith.constant 1.024000e+03 : f32
      %max3A_579 = vector.broadcast %jit3A_577 : f32 to vector<16xf32>
      %max3A_580 = arith.maximumf %max3A_579, %add3A_576 : vector<16xf32>
      %min3A_581 = vector.broadcast %jit3A_578 : f32 to vector<16xf32>
      %min3A_582 = arith.minimumf %min3A_581, %max3A_580 : vector<16xf32>
      %sub3A_583 = arith.subf %min3A_572, %min3A_552 : vector<16xf32>
      %max3A_584 = arith.constant 0.000000e+00 : f32
      %max3A_585 = vector.broadcast %max3A_584 : f32 to vector<16xf32>
      %max3A_586 = arith.maximumf %sub3A_583, %max3A_585 : vector<16xf32>
      %sub3A_587 = arith.subf %min3A_582, %min3A_562 : vector<16xf32>
      %max3A_588 = arith.constant 0.000000e+00 : f32
      %max3A_589 = vector.broadcast %max3A_588 : f32 to vector<16xf32>
      %max3A_590 = arith.maximumf %sub3A_587, %max3A_589 : vector<16xf32>
      %mul3A_591 = arith.mulf %max3A_586, %max3A_590 : vector<16xf32>
      %swap3A_592 = arith.index_cast %mul3A_502 : i32 to index
      %swap3A_593 = tpu.vector_load %arg4[%swap3A_592] {strides = array<i32>} : memref<1280xf32, #tpu.memory_space<vmem>>, vector<16xf32>,
      tpu.vector_store %arg4[%swap3A_592], %min3A_552 {strides = array<i32>} : memref<1280xf32, #tpu.memory_space<vmem>>, vector<16xf32>,
      %swap3A_594 = arith.index_cast %mul3A_502 : i32 to index
      %swap3A_595 = tpu.vector_load %arg5[%swap3A_594] {strides = array<i32>} : memref<1280xf32, #tpu.memory_space<vmem>>, vector<16xf32>,
      tpu.vector_store %arg5[%swap3A_594], %min3A_562 {strides = array<i32>} : memref<1280xf32, #tpu.memory_space<vmem>>, vector<16xf32>,
      %swap3A_596 = arith.index_cast %mul3A_502 : i32 to index
      %swap3A_597 = tpu.vector_load %arg6[%swap3A_596] {strides = array<i32>} : memref<1280xf32, #tpu.memory_space<vmem>>, vector<16xf32>,
      tpu.vector_store %arg6[%swap3A_596], %min3A_572 {strides = array<i32>} : memref<1280xf32, #tpu.memory_space<vmem>>, vector<16xf32>,
      %swap3A_598 = arith.index_cast %mul3A_502 : i32 to index
      %swap3A_599 = tpu.vector_load %arg7[%swap3A_598] {strides = array<i32>} : memref<1280xf32, #tpu.memory_space<vmem>>, vector<16xf32>,
      tpu.vector_store %arg7[%swap3A_598], %min3A_582 {strides = array<i32>} : memref<1280xf32, #tpu.memory_space<vmem>>, vector<16xf32>,
      %swap3A_600 = arith.index_cast %mul3A_502 : i32 to index
      %swap3A_601 = tpu.vector_load %arg12[%swap3A_600] {strides = array<i32>} : memref<1280xf32, #tpu.memory_space<vmem>>, vector<16xf32>,
      tpu.vector_store %arg12[%swap3A_600], %mul3A_591 {strides = array<i32>} : memref<1280xf32, #tpu.memory_space<vmem>>, vector<16xf32>,
      %mul3A_602 = arith.constant 16 : i32
      %mul3A_603 = arith.muli %add3A_500, %mul3A_602 : i32
      %convert_element_type3A_604 = arith.sitofp %mul3A_603 : i32 to f32
      %add3A_605 = arith.addf %mul3A_3, %convert_element_type3A_604 : f32
      %add3A_606 = vector.broadcast %add3A_605 : f32 to vector<16xf32>
      %add3A_607 = arith.addf %add3A_606, %convert_element_type3A : vector<16xf32>
      %get3A_608 = arith.index_cast %mul3A_502 : i32 to index
      %get3A_609 = tpu.vector_load %arg13[%get3A_608] {strides = array<i32>} : memref<1280xf32, #tpu.memory_space<vmem>>, vector<16xf32>,
      %gt3A_610 = arith.cmpf ogt, %get3A_609, %select_n3A_495 : vector<16xf32>
      %gt3A_611 = arith.cmpf ogt, %get3A_609, %select_n3A_492 : vector<16xf32>
      %select_n3A_612 = arith.select %gt3A_611, %get3A_609, %select_n3A_492 : vector<16xi1>, vector<16xf32>
      %select_n3A_613 = arith.select %gt3A_610, %select_n3A_495, %select_n3A_612 : vector<16xi1>, vector<16xf32>
      %select_n3A_614 = arith.select %gt3A_611, %add3A_607, %select_n3A_494 : vector<16xi1>, vector<16xf32>
      %select_n3A_615 = arith.select %gt3A_610, %select_n3A_496, %select_n3A_614 : vector<16xi1>, vector<16xf32>
      %select_n3A_616 = arith.select %gt3A_610, %get3A_609, %select_n3A_495 : vector<16xi1>, vector<16xf32>
      %select_n3A_617 = arith.select %gt3A_610, %add3A_607, %select_n3A_496 : vector<16xi1>, vector<16xf32>
      scf.yield %select_n3A_616, %select_n3A_617, %select_n3A_613, %select_n3A_615 : vector<16xf32>, vector<16xf32>, vector<16xf32>, vector<16xf32>
    }
    %scan3A_32 = arith.constant 20 : i32
    %reduce_max3A = arith.constant true
    %reduce_max3A_33 = vector.broadcast %reduce_max3A : i1 to vector<16xi1>
    %reduce_max3A_34 = tpu.scan <max>, %scan3A_31#0 masked %reduce_max3A_33 : vector<16xf32>, vector<16xi1> -> vector<16xf32>
    %reduce_max3A_35 = vector.extract %reduce_max3A_34[15] : f32 from vector<16xf32>
    %broadcast_in_dim3A_36 = vector.broadcast %reduce_max3A_35 : f32 to vector<16xf32>
    %eq3A = arith.cmpf oeq, %scan3A_31#0, %broadcast_in_dim3A_36 : vector<16xf32>
    %jit3A = arith.constant 3.000000e+38 : f32
    %broadcast_in_dim3A_37 = vector.broadcast %jit3A : f32 to vector<16xf32>
    %select_n3A = arith.select %eq3A, %scan3A_31#1, %broadcast_in_dim3A_37 : vector<16xi1>, vector<16xf32>
    %reduce_min3A = arith.constant true
    %reduce_min3A_38 = vector.broadcast %reduce_min3A : i1 to vector<16xi1>
    %reduce_min3A_39 = tpu.scan <min>, %select_n3A masked %reduce_min3A_38 : vector<16xf32>, vector<16xi1> -> vector<16xf32>
    %reduce_min3A_40 = vector.extract %reduce_min3A_39[15] : f32 from vector<16xf32>
    %broadcast_in_dim3A_41 = vector.broadcast %reduce_max3A_35 : f32 to vector<16xf32>
    %eq3A_42 = arith.cmpf oeq, %scan3A_31#0, %broadcast_in_dim3A_41 : vector<16xf32>
    %broadcast_in_dim3A_43 = vector.broadcast %reduce_min3A_40 : f32 to vector<16xf32>
    %eq3A_44 = arith.cmpf oeq, %scan3A_31#1, %broadcast_in_dim3A_43 : vector<16xf32>
    %and3A = arith.andi %eq3A_42, %eq3A_44 : vector<16xi1>
    %select_n3A_45 = arith.select %and3A, %scan3A_31#2, %scan3A_31#0 : vector<16xi1>, vector<16xf32>
    %select_n3A_46 = arith.select %and3A, %scan3A_31#3, %scan3A_31#1 : vector<16xi1>, vector<16xf32>
    %reduce_max3A_47 = arith.constant true
    %reduce_max3A_48 = vector.broadcast %reduce_max3A_47 : i1 to vector<16xi1>
    %reduce_max3A_49 = tpu.scan <max>, %select_n3A_45 masked %reduce_max3A_48 : vector<16xf32>, vector<16xi1> -> vector<16xf32>
    %reduce_max3A_50 = vector.extract %reduce_max3A_49[15] : f32 from vector<16xf32>
    %broadcast_in_dim3A_51 = vector.broadcast %reduce_max3A_50 : f32 to vector<16xf32>
    %eq3A_52 = arith.cmpf oeq, %select_n3A_45, %broadcast_in_dim3A_51 : vector<16xf32>
    %jit3A_53 = arith.constant 3.000000e+38 : f32
    %broadcast_in_dim3A_54 = vector.broadcast %jit3A_53 : f32 to vector<16xf32>
    %select_n3A_55 = arith.select %eq3A_52, %select_n3A_46, %broadcast_in_dim3A_54 : vector<16xi1>, vector<16xf32>
    %reduce_min3A_56 = arith.constant true
    %reduce_min3A_57 = vector.broadcast %reduce_min3A_56 : i1 to vector<16xi1>
    %reduce_min3A_58 = tpu.scan <min>, %select_n3A_55 masked %reduce_min3A_57 : vector<16xf32>, vector<16xi1> -> vector<16xf32>
    %reduce_min3A_59 = vector.extract %reduce_min3A_58[15] : f32 from vector<16xf32>
    %broadcast_in_dim3A_60 = vector.broadcast %reduce_max3A_35 : f32 to vector<16xf32>
    %broadcast_in_dim3A_61 = vector.broadcast %reduce_min3A_40 : f32 to vector<16xf32>
    %convert_element_type3A_62 = arith.fptosi %reduce_min3A_40 : f32 to i32
    %sub3A = arith.subi %convert_element_type3A_62, %mul3A_0 : i32
    %broadcast_in_dim3A_63 = vector.broadcast %sub3A : i32 to vector<16xi32>
    %gather3A = tpu.vector_load_idx %arg4[%broadcast_in_dim3A_63] : memref<1280xf32, #tpu.memory_space<vmem>>[vector<16xi32>], vector<16xf32>,
    %gather3A_64 = tpu.vector_load_idx %arg5[%broadcast_in_dim3A_63] : memref<1280xf32, #tpu.memory_space<vmem>>[vector<16xi32>], vector<16xf32>,
    %gather3A_65 = tpu.vector_load_idx %arg6[%broadcast_in_dim3A_63] : memref<1280xf32, #tpu.memory_space<vmem>>[vector<16xi32>], vector<16xf32>,
    %gather3A_66 = tpu.vector_load_idx %arg7[%broadcast_in_dim3A_63] : memref<1280xf32, #tpu.memory_space<vmem>>[vector<16xi32>], vector<16xf32>,
    %gather3A_67 = tpu.vector_load_idx %arg12[%broadcast_in_dim3A_63] : memref<1280xf32, #tpu.memory_space<vmem>>[vector<16xi32>], vector<16xf32>,
    %eq3A_68 = arith.constant 0 : i32
    %eq3A_69 = vector.broadcast %eq3A_68 : i32 to vector<16xi32>
    %eq3A_70 = arith.cmpi eq, %iota3A, %eq3A_69 : vector<16xi32>
    %eq3A_71 = arith.constant 1 : i32
    %eq3A_72 = vector.broadcast %eq3A_71 : i32 to vector<16xi32>
    %eq3A_73 = arith.cmpi eq, %iota3A, %eq3A_72 : vector<16xi32>
    %eq3A_74 = arith.constant 2 : i32
    %eq3A_75 = vector.broadcast %eq3A_74 : i32 to vector<16xi32>
    %eq3A_76 = arith.cmpi eq, %iota3A, %eq3A_75 : vector<16xi32>
    %eq3A_77 = arith.constant 3 : i32
    %eq3A_78 = vector.broadcast %eq3A_77 : i32 to vector<16xi32>
    %eq3A_79 = arith.cmpi eq, %iota3A, %eq3A_78 : vector<16xi32>
    %eq3A_80 = arith.constant 4 : i32
    %eq3A_81 = vector.broadcast %eq3A_80 : i32 to vector<16xi32>
    %eq3A_82 = arith.cmpi eq, %iota3A, %eq3A_81 : vector<16xi32>
    %eq3A_83 = arith.constant 5 : i32
    %eq3A_84 = vector.broadcast %eq3A_83 : i32 to vector<16xi32>
    %eq3A_85 = arith.cmpi eq, %iota3A, %eq3A_84 : vector<16xi32>
    %select_n3A_86 = arith.select %eq3A_85, %gather3A_67, %broadcast_in_dim3A_61 : vector<16xi1>, vector<16xf32>
    %select_n3A_87 = arith.select %eq3A_82, %broadcast_in_dim3A_60, %select_n3A_86 : vector<16xi1>, vector<16xf32>
    %select_n3A_88 = arith.select %eq3A_79, %gather3A_66, %select_n3A_87 : vector<16xi1>, vector<16xf32>
    %select_n3A_89 = arith.select %eq3A_76, %gather3A_65, %select_n3A_88 : vector<16xi1>, vector<16xf32>
    %select_n3A_90 = arith.select %eq3A_73, %gather3A_64, %select_n3A_89 : vector<16xi1>, vector<16xf32>
    %select_n3A_91 = arith.select %eq3A_70, %gather3A, %select_n3A_90 : vector<16xi1>, vector<16xf32>
    %broadcast_in_dim3A_92 = vector.broadcast %reduce_max3A_50 : f32 to vector<16xf32>
    %broadcast_in_dim3A_93 = vector.broadcast %reduce_min3A_59 : f32 to vector<16xf32>
    %convert_element_type3A_94 = arith.fptosi %reduce_min3A_59 : f32 to i32
    %sub3A_95 = arith.subi %convert_element_type3A_94, %mul3A_0 : i32
    %broadcast_in_dim3A_96 = vector.broadcast %sub3A_95 : i32 to vector<16xi32>
    %gather3A_97 = tpu.vector_load_idx %arg4[%broadcast_in_dim3A_96] : memref<1280xf32, #tpu.memory_space<vmem>>[vector<16xi32>], vector<16xf32>,
    %gather3A_98 = tpu.vector_load_idx %arg5[%broadcast_in_dim3A_96] : memref<1280xf32, #tpu.memory_space<vmem>>[vector<16xi32>], vector<16xf32>,
    %gather3A_99 = tpu.vector_load_idx %arg6[%broadcast_in_dim3A_96] : memref<1280xf32, #tpu.memory_space<vmem>>[vector<16xi32>], vector<16xf32>,
    %gather3A_100 = tpu.vector_load_idx %arg7[%broadcast_in_dim3A_96] : memref<1280xf32, #tpu.memory_space<vmem>>[vector<16xi32>], vector<16xf32>,
    %gather3A_101 = tpu.vector_load_idx %arg12[%broadcast_in_dim3A_96] : memref<1280xf32, #tpu.memory_space<vmem>>[vector<16xi32>], vector<16xf32>,
    %eq3A_102 = arith.constant 0 : i32
    %eq3A_103 = vector.broadcast %eq3A_102 : i32 to vector<16xi32>
    %eq3A_104 = arith.cmpi eq, %iota3A, %eq3A_103 : vector<16xi32>
    %eq3A_105 = arith.constant 1 : i32
    %eq3A_106 = vector.broadcast %eq3A_105 : i32 to vector<16xi32>
    %eq3A_107 = arith.cmpi eq, %iota3A, %eq3A_106 : vector<16xi32>
    %eq3A_108 = arith.constant 2 : i32
    %eq3A_109 = vector.broadcast %eq3A_108 : i32 to vector<16xi32>
    %eq3A_110 = arith.cmpi eq, %iota3A, %eq3A_109 : vector<16xi32>
    %eq3A_111 = arith.constant 3 : i32
    %eq3A_112 = vector.broadcast %eq3A_111 : i32 to vector<16xi32>
    %eq3A_113 = arith.cmpi eq, %iota3A, %eq3A_112 : vector<16xi32>
    %eq3A_114 = arith.constant 4 : i32
    %eq3A_115 = vector.broadcast %eq3A_114 : i32 to vector<16xi32>
    %eq3A_116 = arith.cmpi eq, %iota3A, %eq3A_115 : vector<16xi32>
    %eq3A_117 = arith.constant 5 : i32
    %eq3A_118 = vector.broadcast %eq3A_117 : i32 to vector<16xi32>
    %eq3A_119 = arith.cmpi eq, %iota3A, %eq3A_118 : vector<16xi32>
    %select_n3A_120 = arith.select %eq3A_119, %gather3A_101, %broadcast_in_dim3A_93 : vector<16xi1>, vector<16xf32>
    %select_n3A_121 = arith.select %eq3A_116, %broadcast_in_dim3A_92, %select_n3A_120 : vector<16xi1>, vector<16xf32>
    %select_n3A_122 = arith.select %eq3A_113, %gather3A_100, %select_n3A_121 : vector<16xi1>, vector<16xf32>
    %select_n3A_123 = arith.select %eq3A_110, %gather3A_99, %select_n3A_122 : vector<16xi1>, vector<16xf32>
    %select_n3A_124 = arith.select %eq3A_107, %gather3A_98, %select_n3A_123 : vector<16xi1>, vector<16xf32>
    %select_n3A_125 = arith.select %eq3A_104, %gather3A_97, %select_n3A_124 : vector<16xi1>, vector<16xf32>
    %while3A = arith.constant 0 : i32
    %while3A_126 = arith.constant 0 : i32
    %while3A_127:4 = scf.while (%while3A_135 = %while3A, %while3A_136 = %while3A_126, %while3A_137 = %select_n3A_91, %while3A_138 = %select_n3A_125) : (i32, i32, vector<16xf32>, vector<16xf32>) -> (i32, i32, vector<16xf32>, vector<16xf32>) {
      %lt3A = arith.constant 100 : i32
      %lt3A_139 = arith.cmpi slt, %while3A_135, %lt3A : i32
      scf.condition(%lt3A_139) %while3A_135, %while3A_136, %while3A_137, %while3A_138 : i32, i32, vector<16xf32>, vector<16xf32>
    } do {
    ^bb0(%while3A_135: i32, %while3A_136: i32, %while3A_137: vector<16xf32>, %while3A_138: vector<16xf32>):
      %and3A_139 = arith.constant 1 : i32
      %and3A_140 = arith.andi %while3A_136, %and3A_139 : i32
      %swap3A = arith.constant 0 : index
      %swap3A_141 = tpu.vector_load %arg14[%swap3A] {strides = array<i32>} : memref<32xf32, #tpu.memory_space<vmem>>, vector<16xf32>,
      tpu.vector_store %arg14[%swap3A], %while3A_137 {strides = array<i32>} : memref<32xf32, #tpu.memory_space<vmem>>, vector<16xf32>,
      %swap3A_142 = arith.constant 16 : index
      %swap3A_143 = tpu.vector_load %arg14[%swap3A_142] {strides = array<i32>} : memref<32xf32, #tpu.memory_space<vmem>>, vector<16xf32>,
      tpu.vector_store %arg14[%swap3A_142], %while3A_138 {strides = array<i32>} : memref<32xf32, #tpu.memory_space<vmem>>, vector<16xf32>,
      %mul3A_144 = arith.constant 512 : i32
      %mul3A_145 = arith.muli %and3A_140, %mul3A_144 : i32
      %mul3A_146 = arith.constant 32 : i32
      %mul3A_147 = arith.muli %arg1, %mul3A_146 : i32
      %add3A_148 = arith.addi %mul3A_145, %mul3A_147 : i32
      "tpu.region"() ({
        %run_scoped3A = tpu.sem_alloc : memref<!tpu.dma_semaphore, #tpu.memory_space<semaphore_mem>>
        %dma_start3A = tpu.memref_slice %arg17[%add3A_148] : memref<1024xf32, #tpu.memory_space<vmem_shared>> -> memref<32xf32, #tpu.memory_space<vmem_shared>>
        %dma_start3A_486 = tpu.memref_slice %arg17[%add3A_148] : memref<1024xf32, #tpu.memory_space<vmem_shared>> -> memref<32xf32, #tpu.memory_space<vmem_shared>>
        tpu.enqueue_dma source(%arg14 : memref<32xf32, #tpu.memory_space<vmem>>) target(%dma_start3A_486 : memref<32xf32, #tpu.memory_space<vmem_shared>>) target_semaphore(%run_scoped3A : memref<!tpu.dma_semaphore, #tpu.memory_space<semaphore_mem>>)
        %dma_wait3A = tpu.memref_slice %arg17[%add3A_148] : memref<1024xf32, #tpu.memory_space<vmem_shared>> -> memref<32xf32, #tpu.memory_space<vmem_shared>>
        %dma_wait3A_487 = tpu.memref_slice %arg17[%add3A_148] : memref<1024xf32, #tpu.memory_space<vmem_shared>> -> memref<32xf32, #tpu.memory_space<vmem_shared>>
        tpu.wait_dma2 semaphore(%run_scoped3A : memref<!tpu.dma_semaphore, #tpu.memory_space<semaphore_mem>>) src(%arg14 : memref<32xf32, #tpu.memory_space<vmem>>) dst(%dma_wait3A_487 : memref<32xf32, #tpu.memory_space<vmem_shared>>)
        tpu.yield
      }) : () -> ()
      %barrier3A = arith.constant 0 : index
      tpu.barrier barrier_id(%barrier3A)
      %mul3A_149 = arith.constant 512 : i32
      %mul3A_150 = arith.muli %and3A_140, %mul3A_149 : i32
      "tpu.region"() ({
        %run_scoped3A = tpu.sem_alloc : memref<!tpu.dma_semaphore, #tpu.memory_space<semaphore_mem>>
        %dma_start3A = tpu.memref_slice %arg17[%mul3A_150] : memref<1024xf32, #tpu.memory_space<vmem_shared>> -> memref<512xf32, #tpu.memory_space<vmem_shared>>
        %dma_start3A_486 = tpu.memref_slice %arg17[%mul3A_150] : memref<1024xf32, #tpu.memory_space<vmem_shared>> -> memref<512xf32, #tpu.memory_space<vmem_shared>>
        tpu.enqueue_dma source(%dma_start3A_486 : memref<512xf32, #tpu.memory_space<vmem_shared>>) target(%arg15 : memref<512xf32, #tpu.memory_space<vmem>>) target_semaphore(%run_scoped3A : memref<!tpu.dma_semaphore, #tpu.memory_space<semaphore_mem>>)
        %dma_wait3A = tpu.memref_slice %arg17[%mul3A_150] : memref<1024xf32, #tpu.memory_space<vmem_shared>> -> memref<512xf32, #tpu.memory_space<vmem_shared>>
        %dma_wait3A_487 = tpu.memref_slice %arg17[%mul3A_150] : memref<1024xf32, #tpu.memory_space<vmem_shared>> -> memref<512xf32, #tpu.memory_space<vmem_shared>>
        tpu.wait_dma2 semaphore(%run_scoped3A : memref<!tpu.dma_semaphore, #tpu.memory_space<semaphore_mem>>) src(%dma_wait3A_487 : memref<512xf32, #tpu.memory_space<vmem_shared>>) dst(%arg15 : memref<512xf32, #tpu.memory_space<vmem>>)
        tpu.yield
      }) : () -> ()
      %mul3A_151 = arith.constant 32 : i32
      %mul3A_152 = vector.broadcast %mul3A_151 : i32 to vector<16xi32>
      %mul3A_153 = arith.muli %iota3A, %mul3A_152 : vector<16xi32>
      %add3A_154 = arith.constant 4 : i32
      %add3A_155 = vector.broadcast %add3A_154 : i32 to vector<16xi32>
      %add3A_156 = arith.addi %mul3A_153, %add3A_155 : vector<16xi32>
      %gather3A_157 = tpu.vector_load_idx %arg15[%add3A_156] : memref<512xf32, #tpu.memory_space<vmem>>[vector<16xi32>], vector<16xf32>,
      %mul3A_158 = arith.constant 32 : i32
      %mul3A_159 = vector.broadcast %mul3A_158 : i32 to vector<16xi32>
      %mul3A_160 = arith.muli %iota3A, %mul3A_159 : vector<16xi32>
      %add3A_161 = arith.constant 6 : i32
      %add3A_162 = vector.broadcast %add3A_161 : i32 to vector<16xi32>
      %add3A_163 = arith.addi %mul3A_160, %add3A_162 : vector<16xi32>
      %gather3A_164 = tpu.vector_load_idx %arg15[%add3A_163] : memref<512xf32, #tpu.memory_space<vmem>>[vector<16xi32>], vector<16xf32>,
      %mul3A_165 = arith.constant 32 : i32
      %mul3A_166 = vector.broadcast %mul3A_165 : i32 to vector<16xi32>
      %mul3A_167 = arith.muli %iota3A, %mul3A_166 : vector<16xi32>
      %add3A_168 = arith.constant 16 : i32
      %add3A_169 = vector.broadcast %add3A_168 : i32 to vector<16xi32>
      %add3A_170 = arith.addi %mul3A_167, %add3A_169 : vector<16xi32>
      %add3A_171 = arith.constant 4 : i32
      %add3A_172 = vector.broadcast %add3A_171 : i32 to vector<16xi32>
      %add3A_173 = arith.addi %add3A_170, %add3A_172 : vector<16xi32>
      %gather3A_174 = tpu.vector_load_idx %arg15[%add3A_173] : memref<512xf32, #tpu.memory_space<vmem>>[vector<16xi32>], vector<16xf32>,
      %mul3A_175 = arith.constant 32 : i32
      %mul3A_176 = vector.broadcast %mul3A_175 : i32 to vector<16xi32>
      %mul3A_177 = arith.muli %iota3A, %mul3A_176 : vector<16xi32>
      %add3A_178 = arith.constant 16 : i32
      %add3A_179 = vector.broadcast %add3A_178 : i32 to vector<16xi32>
      %add3A_180 = arith.addi %mul3A_177, %add3A_179 : vector<16xi32>
      %add3A_181 = arith.constant 6 : i32
      %add3A_182 = vector.broadcast %add3A_181 : i32 to vector<16xi32>
      %add3A_183 = arith.addi %add3A_180, %add3A_182 : vector<16xi32>
      %gather3A_184 = tpu.vector_load_idx %arg15[%add3A_183] : memref<512xf32, #tpu.memory_space<vmem>>[vector<16xi32>], vector<16xf32>,
      %reduce_max3A_185 = arith.constant true
      %reduce_max3A_186 = vector.broadcast %reduce_max3A_185 : i1 to vector<16xi1>
      %reduce_max3A_187 = tpu.scan <max>, %gather3A_157 masked %reduce_max3A_186 : vector<16xf32>, vector<16xi1> -> vector<16xf32>
      %reduce_max3A_188 = vector.extract %reduce_max3A_187[15] : f32 from vector<16xf32>
      %broadcast_in_dim3A_189 = vector.broadcast %reduce_max3A_188 : f32 to vector<16xf32>
      %eq3A_190 = arith.cmpf oeq, %gather3A_157, %broadcast_in_dim3A_189 : vector<16xf32>
      %jit3A_191 = arith.constant 3.000000e+38 : f32
      %broadcast_in_dim3A_192 = vector.broadcast %jit3A_191 : f32 to vector<16xf32>
      %select_n3A_193 = arith.select %eq3A_190, %gather3A_164, %broadcast_in_dim3A_192 : vector<16xi1>, vector<16xf32>
      %reduce_min3A_194 = arith.constant true
      %reduce_min3A_195 = vector.broadcast %reduce_min3A_194 : i1 to vector<16xi1>
      %reduce_min3A_196 = tpu.scan <min>, %select_n3A_193 masked %reduce_min3A_195 : vector<16xf32>, vector<16xi1> -> vector<16xf32>
      %reduce_min3A_197 = vector.extract %reduce_min3A_196[15] : f32 from vector<16xf32>
      %broadcast_in_dim3A_198 = vector.broadcast %reduce_min3A_197 : f32 to vector<16xf32>
      %eq3A_199 = arith.cmpf oeq, %gather3A_164, %broadcast_in_dim3A_198 : vector<16xf32>
      %and3A_200 = arith.andi %eq3A_190, %eq3A_199 : vector<16xi1>
      %jit3A_201 = arith.constant 9999 : i32
      %broadcast_in_dim3A_202 = vector.broadcast %jit3A_201 : i32 to vector<16xi32>
      %select_n3A_203 = arith.select %and3A_200, %iota3A, %broadcast_in_dim3A_202 : vector<16xi1>, vector<16xi32>
      %reduce_min3A_204 = arith.constant true
      %reduce_min3A_205 = vector.broadcast %reduce_min3A_204 : i1 to vector<16xi1>
      %reduce_min3A_206 = arith.constant -2147483648 : i32
      %reduce_min3A_207 = vector.broadcast %reduce_min3A_206 : i32 to vector<16xi32>
      %reduce_min3A_208 = arith.xori %select_n3A_203, %reduce_min3A_207 : vector<16xi32>
      %reduce_min3A_209 = tpu.scan <min>, %reduce_min3A_208 masked %reduce_min3A_205 : vector<16xi32>, vector<16xi1> -> vector<16xi32>
      %reduce_min3A_210 = arith.xori %reduce_min3A_209, %reduce_min3A_207 : vector<16xi32>
      %reduce_min3A_211 = vector.extract %reduce_min3A_210[15] : i32 from vector<16xi32>
      %mul3A_212 = arith.constant 32 : i32
      %mul3A_213 = arith.muli %reduce_min3A_211, %mul3A_212 : i32
      %broadcast_in_dim3A_214 = vector.broadcast %mul3A_213 : i32 to vector<16xi32>
      %add3A_215 = arith.addi %broadcast_in_dim3A_214, %iota3A : vector<16xi32>
      %gather3A_216 = tpu.vector_load_idx %arg15[%add3A_215] : memref<512xf32, #tpu.memory_space<vmem>>[vector<16xi32>], vector<16xf32>,
      %broadcast_in_dim3A_217 = vector.broadcast %reduce_min3A_211 : i32 to vector<16xi32>
      %eq3A_218 = arith.cmpi eq, %iota3A, %broadcast_in_dim3A_217 : vector<16xi32>
      %select_n3A_219 = arith.select %eq3A_218, %gather3A_174, %gather3A_157 : vector<16xi1>, vector<16xf32>
      %select_n3A_220 = arith.select %eq3A_218, %gather3A_184, %gather3A_164 : vector<16xi1>, vector<16xf32>
      %reduce_max3A_221 = arith.constant true
      %reduce_max3A_222 = vector.broadcast %reduce_max3A_221 : i1 to vector<16xi1>
      %reduce_max3A_223 = tpu.scan <max>, %select_n3A_219 masked %reduce_max3A_222 : vector<16xf32>, vector<16xi1> -> vector<16xf32>
      %reduce_max3A_224 = vector.extract %reduce_max3A_223[15] : f32 from vector<16xf32>
      %broadcast_in_dim3A_225 = vector.broadcast %reduce_max3A_224 : f32 to vector<16xf32>
      %eq3A_226 = arith.cmpf oeq, %select_n3A_219, %broadcast_in_dim3A_225 : vector<16xf32>
      %jit3A_227 = arith.constant 3.000000e+38 : f32
      %broadcast_in_dim3A_228 = vector.broadcast %jit3A_227 : f32 to vector<16xf32>
      %select_n3A_229 = arith.select %eq3A_226, %select_n3A_220, %broadcast_in_dim3A_228 : vector<16xi1>, vector<16xf32>
      %reduce_min3A_230 = arith.constant true
      %reduce_min3A_231 = vector.broadcast %reduce_min3A_230 : i1 to vector<16xi1>
      %reduce_min3A_232 = tpu.scan <min>, %select_n3A_229 masked %reduce_min3A_231 : vector<16xf32>, vector<16xi1> -> vector<16xf32>
      %reduce_min3A_233 = vector.extract %reduce_min3A_232[15] : f32 from vector<16xf32>
      %broadcast_in_dim3A_234 = vector.broadcast %reduce_min3A_233 : f32 to vector<16xf32>
      %eq3A_235 = arith.cmpf oeq, %select_n3A_220, %broadcast_in_dim3A_234 : vector<16xf32>
      %and3A_236 = arith.andi %eq3A_226, %eq3A_235 : vector<16xi1>
      %jit3A_237 = arith.constant 9999 : i32
      %broadcast_in_dim3A_238 = vector.broadcast %jit3A_237 : i32 to vector<16xi32>
      %select_n3A_239 = arith.select %and3A_236, %iota3A, %broadcast_in_dim3A_238 : vector<16xi1>, vector<16xi32>
      %reduce_min3A_240 = arith.constant true
      %reduce_min3A_241 = vector.broadcast %reduce_min3A_240 : i1 to vector<16xi1>
      %reduce_min3A_242 = arith.constant -2147483648 : i32
      %reduce_min3A_243 = vector.broadcast %reduce_min3A_242 : i32 to vector<16xi32>
      %reduce_min3A_244 = arith.xori %select_n3A_239, %reduce_min3A_243 : vector<16xi32>
      %reduce_min3A_245 = tpu.scan <min>, %reduce_min3A_244 masked %reduce_min3A_241 : vector<16xi32>, vector<16xi1> -> vector<16xi32>
      %reduce_min3A_246 = arith.xori %reduce_min3A_245, %reduce_min3A_243 : vector<16xi32>
      %reduce_min3A_247 = vector.extract %reduce_min3A_246[15] : i32 from vector<16xi32>
      %mul3A_248 = arith.constant 32 : i32
      %mul3A_249 = arith.muli %reduce_min3A_247, %mul3A_248 : i32
      %eq3A_250 = arith.cmpi eq, %reduce_min3A_247, %reduce_min3A_211 : i32
      %jit3A_251 = arith.constant 16 : i32
      %jit3A_252 = arith.constant 0 : i32
      %select_n3A_253 = arith.select %eq3A_250, %jit3A_251, %jit3A_252 : i32
      %add3A_254 = arith.addi %mul3A_249, %select_n3A_253 : i32
      %broadcast_in_dim3A_255 = vector.broadcast %add3A_254 : i32 to vector<16xi32>
      %add3A_256 = arith.addi %broadcast_in_dim3A_255, %iota3A : vector<16xi32>
      %gather3A_257 = tpu.vector_load_idx %arg15[%add3A_256] : memref<512xf32, #tpu.memory_space<vmem>>[vector<16xi32>], vector<16xf32>,
      %broadcast_in_dim3A_258 = vector.broadcast %mul3A_213 : i32 to vector<16xi32>
      %gather3A_259 = tpu.vector_load_idx %arg15[%broadcast_in_dim3A_258] : memref<512xf32, #tpu.memory_space<vmem>>[vector<16xi32>], vector<16xf32>,
      %add3A_260 = arith.constant 1 : i32
      %add3A_261 = arith.addi %mul3A_213, %add3A_260 : i32
      %broadcast_in_dim3A_262 = vector.broadcast %add3A_261 : i32 to vector<16xi32>
      %gather3A_263 = tpu.vector_load_idx %arg15[%broadcast_in_dim3A_262] : memref<512xf32, #tpu.memory_space<vmem>>[vector<16xi32>], vector<16xf32>,
      %add3A_264 = arith.constant 2 : i32
      %add3A_265 = arith.addi %mul3A_213, %add3A_264 : i32
      %broadcast_in_dim3A_266 = vector.broadcast %add3A_265 : i32 to vector<16xi32>
      %gather3A_267 = tpu.vector_load_idx %arg15[%broadcast_in_dim3A_266] : memref<512xf32, #tpu.memory_space<vmem>>[vector<16xi32>], vector<16xf32>,
      %add3A_268 = arith.constant 3 : i32
      %add3A_269 = arith.addi %mul3A_213, %add3A_268 : i32
      %broadcast_in_dim3A_270 = vector.broadcast %add3A_269 : i32 to vector<16xi32>
      %gather3A_271 = tpu.vector_load_idx %arg15[%broadcast_in_dim3A_270] : memref<512xf32, #tpu.memory_space<vmem>>[vector<16xi32>], vector<16xf32>,
      %add3A_272 = arith.constant 5 : i32
      %add3A_273 = arith.addi %mul3A_213, %add3A_272 : i32
      %broadcast_in_dim3A_274 = vector.broadcast %add3A_273 : i32 to vector<16xi32>
      %gather3A_275 = tpu.vector_load_idx %arg15[%broadcast_in_dim3A_274] : memref<512xf32, #tpu.memory_space<vmem>>[vector<16xi32>], vector<16xf32>,
      %broadcast_in_dim3A_276 = vector.broadcast %add3A_254 : i32 to vector<16xi32>
      %gather3A_277 = tpu.vector_load_idx %arg15[%broadcast_in_dim3A_276] : memref<512xf32, #tpu.memory_space<vmem>>[vector<16xi32>], vector<16xf32>,
      %add3A_278 = arith.constant 1 : i32
      %add3A_279 = arith.addi %add3A_254, %add3A_278 : i32
      %broadcast_in_dim3A_280 = vector.broadcast %add3A_279 : i32 to vector<16xi32>
      %gather3A_281 = tpu.vector_load_idx %arg15[%broadcast_in_dim3A_280] : memref<512xf32, #tpu.memory_space<vmem>>[vector<16xi32>], vector<16xf32>,
      %add3A_282 = arith.constant 2 : i32
      %add3A_283 = arith.addi %add3A_254, %add3A_282 : i32
      %broadcast_in_dim3A_284 = vector.broadcast %add3A_283 : i32 to vector<16xi32>
      %gather3A_285 = tpu.vector_load_idx %arg15[%broadcast_in_dim3A_284] : memref<512xf32, #tpu.memory_space<vmem>>[vector<16xi32>], vector<16xf32>,
      %add3A_286 = arith.constant 3 : i32
      %add3A_287 = arith.addi %add3A_254, %add3A_286 : i32
      %broadcast_in_dim3A_288 = vector.broadcast %add3A_287 : i32 to vector<16xi32>
      %gather3A_289 = tpu.vector_load_idx %arg15[%broadcast_in_dim3A_288] : memref<512xf32, #tpu.memory_space<vmem>>[vector<16xi32>], vector<16xf32>,
      %add3A_290 = arith.constant 5 : i32
      %add3A_291 = arith.addi %add3A_254, %add3A_290 : i32
      %broadcast_in_dim3A_292 = vector.broadcast %add3A_291 : i32 to vector<16xi32>
      %gather3A_293 = tpu.vector_load_idx %arg15[%broadcast_in_dim3A_292] : memref<512xf32, #tpu.memory_space<vmem>>[vector<16xi32>], vector<16xf32>,
      %max3A = arith.maximumf %gather3A_259, %gather3A_277 : vector<16xf32>
      %max3A_294 = arith.maximumf %gather3A_263, %gather3A_281 : vector<16xf32>
      %min3A = arith.minimumf %gather3A_267, %gather3A_285 : vector<16xf32>
      %min3A_295 = arith.minimumf %gather3A_271, %gather3A_289 : vector<16xf32>
      %sub3A_296 = arith.subf %min3A, %max3A : vector<16xf32>
      %max3A_297 = arith.constant 0.000000e+00 : f32
      %max3A_298 = vector.broadcast %max3A_297 : f32 to vector<16xf32>
      %max3A_299 = arith.maximumf %sub3A_296, %max3A_298 : vector<16xf32>
      %sub3A_300 = arith.subf %min3A_295, %max3A_294 : vector<16xf32>
      %max3A_301 = arith.constant 0.000000e+00 : f32
      %max3A_302 = vector.broadcast %max3A_301 : f32 to vector<16xf32>
      %max3A_303 = arith.maximumf %sub3A_300, %max3A_302 : vector<16xf32>
      %mul3A_304 = arith.mulf %max3A_299, %max3A_303 : vector<16xf32>
      %add3A_305 = arith.addf %gather3A_275, %gather3A_293 : vector<16xf32>
      %sub3A_306 = arith.subf %add3A_305, %mul3A_304 : vector<16xf32>
      %add3A_307 = arith.constant 9.99999971E-10 : f32
      %add3A_308 = vector.broadcast %add3A_307 : f32 to vector<16xf32>
      %add3A_309 = arith.addf %sub3A_306, %add3A_308 : vector<16xf32>
      %div3A = arith.divf %mul3A_304, %add3A_309 : vector<16xf32>
      %gt3A = arith.constant 5.000000e-01 : f32
      %gt3A_310 = vector.broadcast %gt3A : f32 to vector<16xf32>
      %gt3A_311 = arith.cmpf ogt, %div3A, %gt3A_310 : vector<16xf32>
      %not3A = arith.constant dense<true> : vector<16xi1>
      %not3A_312 = arith.xori %gt3A_311, %not3A : vector<16xi1>
      %broadcast_in_dim3A_313 = vector.broadcast %reduce_max3A_224 : f32 to vector<16xf32>
      %gt3A_314 = arith.constant -1.000000e+09 : f32
      %gt3A_315 = vector.broadcast %gt3A_314 : f32 to vector<16xf32>
      %gt3A_316 = arith.cmpf ogt, %broadcast_in_dim3A_313, %gt3A_315 : vector<16xf32>
      %and3A_317 = arith.andi %not3A_312, %gt3A_316 : vector<16xi1>
      %jit3A_318 = arith.constant 1 : i32
      %jit3A_319 = arith.constant 0 : i32
      %broadcast_in_dim3A_320 = vector.broadcast %jit3A_318 : i32 to vector<16xi32>
      %broadcast_in_dim3A_321 = vector.broadcast %jit3A_319 : i32 to vector<16xi32>
      %select_n3A_322 = arith.select %and3A_317, %broadcast_in_dim3A_320, %broadcast_in_dim3A_321 : vector<16xi1>, vector<16xi32>
      %reduce_max3A_323 = arith.constant true
      %reduce_max3A_324 = vector.broadcast %reduce_max3A_323 : i1 to vector<16xi1>
      %reduce_max3A_325 = arith.constant -2147483648 : i32
      %reduce_max3A_326 = vector.broadcast %reduce_max3A_325 : i32 to vector<16xi32>
      %reduce_max3A_327 = arith.xori %select_n3A_322, %reduce_max3A_326 : vector<16xi32>
      %reduce_max3A_328 = tpu.scan <max>, %reduce_max3A_327 masked %reduce_max3A_324 : vector<16xi32>, vector<16xi1> -> vector<16xi32>
      %reduce_max3A_329 = arith.xori %reduce_max3A_328, %reduce_max3A_326 : vector<16xi32>
      %reduce_max3A_330 = vector.extract %reduce_max3A_329[15] : i32 from vector<16xi32>
      %gt3A_331 = arith.constant 0 : i32
      %gt3A_332 = arith.cmpi sgt, %reduce_max3A_330, %gt3A_331 : i32
      %eq3A_333 = arith.constant 0 : i32
      %eq3A_334 = arith.cmpi eq, %arg1, %eq3A_333 : i32
      %eq3A_335 = arith.constant 0 : i32
      %eq3A_336 = arith.cmpi eq, %arg0, %eq3A_335 : i32
      %and3A_337 = arith.andi %eq3A_334, %eq3A_336 : i1
      %convert_element_type3A_338 = arith.extui %and3A_337 : i1 to i32
      %cond3A_339 = arith.constant 0 : i32
      %cond3A_340 = arith.cmpi ne, %convert_element_type3A_338, %cond3A_339 : i32
      scf.if %cond3A_340 {
        %mul3A_486 = arith.constant 16 : i32
        %mul3A_487 = arith.muli %while3A_135, %mul3A_486 : i32
        %swap3A_488 = arith.index_cast %mul3A_487 : i32 to index
        %swap3A_489 = tpu.vector_load %arg16[%swap3A_488] {strides = array<i32>} : memref<1664xf32, #tpu.memory_space<vmem>>, vector<16xf32>,
        tpu.vector_store %arg16[%swap3A_488], %gather3A_216 {strides = array<i32>} : memref<1664xf32, #tpu.memory_space<vmem>>, vector<16xf32>,
      } else {
      }
      %and3A_341 = arith.andi %and3A_337, %gt3A_332 : i1
      %convert_element_type3A_342 = arith.extui %and3A_341 : i1 to i32
      %cond3A_343 = arith.constant 0 : i32
      %cond3A_344 = arith.cmpi ne, %convert_element_type3A_342, %cond3A_343 : i32
      scf.if %cond3A_344 {
        %add3A_486 = arith.constant 1 : i32
        %add3A_487 = arith.addi %while3A_135, %add3A_486 : i32
        %mul3A_488 = arith.constant 16 : i32
        %mul3A_489 = arith.muli %add3A_487, %mul3A_488 : i32
        %swap3A_490 = arith.index_cast %mul3A_489 : i32 to index
        %swap3A_491 = tpu.vector_load %arg16[%swap3A_490] {strides = array<i32>} : memref<1664xf32, #tpu.memory_space<vmem>>, vector<16xf32>,
        tpu.vector_store %arg16[%swap3A_490], %gather3A_257 {strides = array<i32>} : memref<1664xf32, #tpu.memory_space<vmem>>, vector<16xf32>,
      } else {
      }
      %convert_element_type3A_345 = arith.fptosi %reduce_min3A_197 : f32 to i32
      %convert_element_type3A_346 = arith.fptosi %reduce_min3A_233 : f32 to i32
      %ge3A = arith.cmpi sge, %convert_element_type3A_345, %mul3A_0 : i32
      %add3A_347 = arith.constant 1280 : i32
      %add3A_348 = arith.addi %mul3A_0, %add3A_347 : i32
      %lt3A = arith.cmpi slt, %convert_element_type3A_345, %add3A_348 : i32
      %and3A_349 = arith.andi %ge3A, %lt3A : i1
      %convert_element_type3A_350 = arith.extui %and3A_349 : i1 to i32
      %cond3A_351 = arith.constant 0 : i32
      %cond3A_352 = arith.cmpi ne, %convert_element_type3A_350, %cond3A_351 : i32
      scf.if %cond3A_352 {
        %sub3A_486 = arith.subi %convert_element_type3A_345, %mul3A_0 : i32
        %broadcast_in_dim3A_487 = vector.broadcast %sub3A_486 : i32 to vector<16xi32>
        %broadcast_in_dim3A_488 = arith.constant -1.000000e+09 : f32
        %broadcast_in_dim3A_489 = vector.broadcast %broadcast_in_dim3A_488 : f32 to vector<16xf32>
        %eq3A_490 = arith.constant 0 : i32
        %eq3A_491 = vector.broadcast %eq3A_490 : i32 to vector<16xi32>
        %eq3A_492 = arith.cmpi eq, %iota3A, %eq3A_491 : vector<16xi32>
        tpu.vector_store_idx %arg13[%broadcast_in_dim3A_487], %broadcast_in_dim3A_489 masked %eq3A_492 : memref<1280xf32, #tpu.memory_space<vmem>>[vector<16xi32>], vector<16xf32>, vector<16xi1>
      } else {
      }
      %ge3A_353 = arith.cmpi sge, %convert_element_type3A_346, %mul3A_0 : i32
      %and3A_354 = arith.andi %gt3A_332, %ge3A_353 : i1
      %add3A_355 = arith.constant 1280 : i32
      %add3A_356 = arith.addi %mul3A_0, %add3A_355 : i32
      %lt3A_357 = arith.cmpi slt, %convert_element_type3A_346, %add3A_356 : i32
      %and3A_358 = arith.andi %and3A_354, %lt3A_357 : i1
      %convert_element_type3A_359 = arith.extui %and3A_358 : i1 to i32
      %cond3A_360 = arith.constant 0 : i32
      %cond3A_361 = arith.cmpi ne, %convert_element_type3A_359, %cond3A_360 : i32
      scf.if %cond3A_361 {
        %sub3A_486 = arith.subi %convert_element_type3A_346, %mul3A_0 : i32
        %broadcast_in_dim3A_487 = vector.broadcast %sub3A_486 : i32 to vector<16xi32>
        %broadcast_in_dim3A_488 = arith.constant -1.000000e+09 : f32
        %broadcast_in_dim3A_489 = vector.broadcast %broadcast_in_dim3A_488 : f32 to vector<16xf32>
        %eq3A_490 = arith.constant 0 : i32
        %eq3A_491 = vector.broadcast %eq3A_490 : i32 to vector<16xi32>
        %eq3A_492 = arith.cmpi eq, %iota3A, %eq3A_491 : vector<16xi32>
        tpu.vector_store_idx %arg13[%broadcast_in_dim3A_487], %broadcast_in_dim3A_489 masked %eq3A_492 : memref<1280xf32, #tpu.memory_space<vmem>>[vector<16xi32>], vector<16xf32>, vector<16xi1>
      } else {
      }
      %jit3A_362 = arith.constant -5.000000e+03 : f32
      %broadcast_in_dim3A_363 = vector.broadcast %jit3A_362 : f32 to vector<16xf32>
      %select_n3A_364 = arith.select %and3A_317, %gather3A_277, %broadcast_in_dim3A_363 : vector<16xi1>, vector<16xf32>
      %jit3A_365 = arith.constant -5.000000e+03 : f32
      %broadcast_in_dim3A_366 = vector.broadcast %jit3A_365 : f32 to vector<16xf32>
      %select_n3A_367 = arith.select %and3A_317, %gather3A_281, %broadcast_in_dim3A_366 : vector<16xi1>, vector<16xf32>
      %jit3A_368 = arith.constant -4.000000e+03 : f32
      %broadcast_in_dim3A_369 = vector.broadcast %jit3A_368 : f32 to vector<16xf32>
      %select_n3A_370 = arith.select %and3A_317, %gather3A_285, %broadcast_in_dim3A_369 : vector<16xi1>, vector<16xf32>
      %jit3A_371 = arith.constant -4.000000e+03 : f32
      %broadcast_in_dim3A_372 = vector.broadcast %jit3A_371 : f32 to vector<16xf32>
      %select_n3A_373 = arith.select %and3A_317, %gather3A_289, %broadcast_in_dim3A_372 : vector<16xi1>, vector<16xf32>
      %scan3A_374 = arith.constant 0 : i32
      %scan3A_375 = arith.constant 20 : i32
      %scan3A_376 = arith.addi %scan3A_374, %scan3A_375 : i32
      %scan3A_377 = arith.constant 1 : i32
      %scan3A_378:4 = scf.for %scan3A_486 = %scan3A_374 to %scan3A_376 step %scan3A_377 iter_args(%scan3A_487 = %broadcast_in_dim3A_4, %scan3A_488 = %broadcast_in_dim3A_6, %scan3A_489 = %broadcast_in_dim3A_8, %scan3A_490 = %broadcast_in_dim3A_10) -> (vector<16xf32>, vector<16xf32>, vector<16xf32>, vector<16xf32>)  : i32 {
        %mul3A_491 = arith.constant 4 : i32
        %mul3A_492 = arith.muli %scan3A_486, %mul3A_491 : i32
        %add3A_493 = arith.constant 0 : i32
        %add3A_494 = arith.addi %mul3A_492, %add3A_493 : i32
        %mul3A_495 = arith.constant 16 : i32
        %mul3A_496 = arith.muli %add3A_494, %mul3A_495 : i32
        %get3A = arith.index_cast %mul3A_496 : i32 to index
        %get3A_497 = tpu.vector_load %arg4[%get3A] {strides = array<i32>} : memref<1280xf32, #tpu.memory_space<vmem>>, vector<16xf32>,
        %get3A_498 = arith.index_cast %mul3A_496 : i32 to index
        %get3A_499 = tpu.vector_load %arg5[%get3A_498] {strides = array<i32>} : memref<1280xf32, #tpu.memory_space<vmem>>, vector<16xf32>,
        %get3A_500 = arith.index_cast %mul3A_496 : i32 to index
        %get3A_501 = tpu.vector_load %arg6[%get3A_500] {strides = array<i32>} : memref<1280xf32, #tpu.memory_space<vmem>>, vector<16xf32>,
        %get3A_502 = arith.index_cast %mul3A_496 : i32 to index
        %get3A_503 = tpu.vector_load %arg7[%get3A_502] {strides = array<i32>} : memref<1280xf32, #tpu.memory_space<vmem>>, vector<16xf32>,
        %get3A_504 = arith.index_cast %mul3A_496 : i32 to index
        %get3A_505 = tpu.vector_load %arg12[%get3A_504] {strides = array<i32>} : memref<1280xf32, #tpu.memory_space<vmem>>, vector<16xf32>,
        %get3A_506 = arith.index_cast %mul3A_496 : i32 to index
        %get3A_507 = tpu.vector_load %arg13[%get3A_506] {strides = array<i32>} : memref<1280xf32, #tpu.memory_space<vmem>>, vector<16xf32>,
        %max3A_508 = arith.maximumf %gather3A_259, %get3A_497 : vector<16xf32>
        %max3A_509 = arith.maximumf %gather3A_263, %get3A_499 : vector<16xf32>
        %min3A_510 = arith.minimumf %gather3A_267, %get3A_501 : vector<16xf32>
        %min3A_511 = arith.minimumf %gather3A_271, %get3A_503 : vector<16xf32>
        %sub3A_512 = arith.subf %min3A_510, %max3A_508 : vector<16xf32>
        %max3A_513 = arith.constant 0.000000e+00 : f32
        %max3A_514 = vector.broadcast %max3A_513 : f32 to vector<16xf32>
        %max3A_515 = arith.maximumf %sub3A_512, %max3A_514 : vector<16xf32>
        %sub3A_516 = arith.subf %min3A_511, %max3A_509 : vector<16xf32>
        %max3A_517 = arith.constant 0.000000e+00 : f32
        %max3A_518 = vector.broadcast %max3A_517 : f32 to vector<16xf32>
        %max3A_519 = arith.maximumf %sub3A_516, %max3A_518 : vector<16xf32>
        %mul3A_520 = arith.mulf %max3A_515, %max3A_519 : vector<16xf32>
        %add3A_521 = arith.addf %gather3A_275, %get3A_505 : vector<16xf32>
        %sub3A_522 = arith.subf %add3A_521, %mul3A_520 : vector<16xf32>
        %add3A_523 = arith.constant 9.99999971E-10 : f32
        %add3A_524 = vector.broadcast %add3A_523 : f32 to vector<16xf32>
        %add3A_525 = arith.addf %sub3A_522, %add3A_524 : vector<16xf32>
        %div3A_526 = arith.divf %mul3A_520, %add3A_525 : vector<16xf32>
        %max3A_527 = arith.maximumf %select_n3A_364, %get3A_497 : vector<16xf32>
        %max3A_528 = arith.maximumf %select_n3A_367, %get3A_499 : vector<16xf32>
        %min3A_529 = arith.minimumf %select_n3A_370, %get3A_501 : vector<16xf32>
        %min3A_530 = arith.minimumf %select_n3A_373, %get3A_503 : vector<16xf32>
        %sub3A_531 = arith.subf %min3A_529, %max3A_527 : vector<16xf32>
        %max3A_532 = arith.constant 0.000000e+00 : f32
        %max3A_533 = vector.broadcast %max3A_532 : f32 to vector<16xf32>
        %max3A_534 = arith.maximumf %sub3A_531, %max3A_533 : vector<16xf32>
        %sub3A_535 = arith.subf %min3A_530, %max3A_528 : vector<16xf32>
        %max3A_536 = arith.constant 0.000000e+00 : f32
        %max3A_537 = vector.broadcast %max3A_536 : f32 to vector<16xf32>
        %max3A_538 = arith.maximumf %sub3A_535, %max3A_537 : vector<16xf32>
        %mul3A_539 = arith.mulf %max3A_534, %max3A_538 : vector<16xf32>
        %add3A_540 = arith.addf %gather3A_293, %get3A_505 : vector<16xf32>
        %sub3A_541 = arith.subf %add3A_540, %mul3A_539 : vector<16xf32>
        %add3A_542 = arith.constant 9.99999971E-10 : f32
        %add3A_543 = vector.broadcast %add3A_542 : f32 to vector<16xf32>
        %add3A_544 = arith.addf %sub3A_541, %add3A_543 : vector<16xf32>
        %div3A_545 = arith.divf %mul3A_539, %add3A_544 : vector<16xf32>
        %gt3A_546 = arith.constant 5.000000e-01 : f32
        %gt3A_547 = vector.broadcast %gt3A_546 : f32 to vector<16xf32>
        %gt3A_548 = arith.cmpf ogt, %div3A_526, %gt3A_547 : vector<16xf32>
        %gt3A_549 = arith.constant 5.000000e-01 : f32
        %gt3A_550 = vector.broadcast %gt3A_549 : f32 to vector<16xf32>
        %gt3A_551 = arith.cmpf ogt, %div3A_545, %gt3A_550 : vector<16xf32>
        %or3A = arith.ori %gt3A_548, %gt3A_551 : vector<16xi1>
        %jit3A_552 = arith.constant -1.000000e+09 : f32
        %broadcast_in_dim3A_553 = vector.broadcast %jit3A_552 : f32 to vector<16xf32>
        %select_n3A_554 = arith.select %or3A, %broadcast_in_dim3A_553, %get3A_507 : vector<16xi1>, vector<16xf32>
        %swap3A_555 = arith.index_cast %mul3A_496 : i32 to index
        %swap3A_556 = tpu.vector_load %arg13[%swap3A_555] {strides = array<i32>} : memref<1280xf32, #tpu.memory_space<vmem>>, vector<16xf32>,
        tpu.vector_store %arg13[%swap3A_555], %select_n3A_554 {strides = array<i32>} : memref<1280xf32, #tpu.memory_space<vmem>>, vector<16xf32>,
        %mul3A_557 = arith.constant 16 : i32
        %mul3A_558 = arith.muli %add3A_494, %mul3A_557 : i32
        %convert_element_type3A_559 = arith.sitofp %mul3A_558 : i32 to f32
        %add3A_560 = arith.addf %mul3A_3, %convert_element_type3A_559 : f32
        %add3A_561 = vector.broadcast %add3A_560 : f32 to vector<16xf32>
        %add3A_562 = arith.addf %add3A_561, %convert_element_type3A : vector<16xf32>
        %gt3A_563 = arith.cmpf ogt, %select_n3A_554, %scan3A_487 : vector<16xf32>
        %gt3A_564 = arith.cmpf ogt, %select_n3A_554, %scan3A_489 : vector<16xf32>
        %select_n3A_565 = arith.select %gt3A_564, %select_n3A_554, %scan3A_489 : vector<16xi1>, vector<16xf32>
        %select_n3A_566 = arith.select %gt3A_563, %scan3A_487, %select_n3A_565 : vector<16xi1>, vector<16xf32>
        %select_n3A_567 = arith.select %gt3A_564, %add3A_562, %scan3A_490 : vector<16xi1>, vector<16xf32>
        %select_n3A_568 = arith.select %gt3A_563, %scan3A_488, %select_n3A_567 : vector<16xi1>, vector<16xf32>
        %select_n3A_569 = arith.select %gt3A_563, %select_n3A_554, %scan3A_487 : vector<16xi1>, vector<16xf32>
        %select_n3A_570 = arith.select %gt3A_563, %add3A_562, %scan3A_488 : vector<16xi1>, vector<16xf32>
        %mul3A_571 = arith.constant 4 : i32
        %mul3A_572 = arith.muli %scan3A_486, %mul3A_571 : i32
        %add3A_573 = arith.constant 1 : i32
        %add3A_574 = arith.addi %mul3A_572, %add3A_573 : i32
        %mul3A_575 = arith.constant 16 : i32
        %mul3A_576 = arith.muli %add3A_574, %mul3A_575 : i32
        %get3A_577 = arith.index_cast %mul3A_576 : i32 to index
        %get3A_578 = tpu.vector_load %arg4[%get3A_577] {strides = array<i32>} : memref<1280xf32, #tpu.memory_space<vmem>>, vector<16xf32>,
        %get3A_579 = arith.index_cast %mul3A_576 : i32 to index
        %get3A_580 = tpu.vector_load %arg5[%get3A_579] {strides = array<i32>} : memref<1280xf32, #tpu.memory_space<vmem>>, vector<16xf32>,
        %get3A_581 = arith.index_cast %mul3A_576 : i32 to index
        %get3A_582 = tpu.vector_load %arg6[%get3A_581] {strides = array<i32>} : memref<1280xf32, #tpu.memory_space<vmem>>, vector<16xf32>,
        %get3A_583 = arith.index_cast %mul3A_576 : i32 to index
        %get3A_584 = tpu.vector_load %arg7[%get3A_583] {strides = array<i32>} : memref<1280xf32, #tpu.memory_space<vmem>>, vector<16xf32>,
        %get3A_585 = arith.index_cast %mul3A_576 : i32 to index
        %get3A_586 = tpu.vector_load %arg12[%get3A_585] {strides = array<i32>} : memref<1280xf32, #tpu.memory_space<vmem>>, vector<16xf32>,
        %get3A_587 = arith.index_cast %mul3A_576 : i32 to index
        %get3A_588 = tpu.vector_load %arg13[%get3A_587] {strides = array<i32>} : memref<1280xf32, #tpu.memory_space<vmem>>, vector<16xf32>,
        %max3A_589 = arith.maximumf %gather3A_259, %get3A_578 : vector<16xf32>
        %max3A_590 = arith.maximumf %gather3A_263, %get3A_580 : vector<16xf32>
        %min3A_591 = arith.minimumf %gather3A_267, %get3A_582 : vector<16xf32>
        %min3A_592 = arith.minimumf %gather3A_271, %get3A_584 : vector<16xf32>
        %sub3A_593 = arith.subf %min3A_591, %max3A_589 : vector<16xf32>
        %max3A_594 = arith.constant 0.000000e+00 : f32
        %max3A_595 = vector.broadcast %max3A_594 : f32 to vector<16xf32>
        %max3A_596 = arith.maximumf %sub3A_593, %max3A_595 : vector<16xf32>
        %sub3A_597 = arith.subf %min3A_592, %max3A_590 : vector<16xf32>
        %max3A_598 = arith.constant 0.000000e+00 : f32
        %max3A_599 = vector.broadcast %max3A_598 : f32 to vector<16xf32>
        %max3A_600 = arith.maximumf %sub3A_597, %max3A_599 : vector<16xf32>
        %mul3A_601 = arith.mulf %max3A_596, %max3A_600 : vector<16xf32>
        %add3A_602 = arith.addf %gather3A_275, %get3A_586 : vector<16xf32>
        %sub3A_603 = arith.subf %add3A_602, %mul3A_601 : vector<16xf32>
        %add3A_604 = arith.constant 9.99999971E-10 : f32
        %add3A_605 = vector.broadcast %add3A_604 : f32 to vector<16xf32>
        %add3A_606 = arith.addf %sub3A_603, %add3A_605 : vector<16xf32>
        %div3A_607 = arith.divf %mul3A_601, %add3A_606 : vector<16xf32>
        %max3A_608 = arith.maximumf %select_n3A_364, %get3A_578 : vector<16xf32>
        %max3A_609 = arith.maximumf %select_n3A_367, %get3A_580 : vector<16xf32>
        %min3A_610 = arith.minimumf %select_n3A_370, %get3A_582 : vector<16xf32>
        %min3A_611 = arith.minimumf %select_n3A_373, %get3A_584 : vector<16xf32>
        %sub3A_612 = arith.subf %min3A_610, %max3A_608 : vector<16xf32>
        %max3A_613 = arith.constant 0.000000e+00 : f32
        %max3A_614 = vector.broadcast %max3A_613 : f32 to vector<16xf32>
        %max3A_615 = arith.maximumf %sub3A_612, %max3A_614 : vector<16xf32>
        %sub3A_616 = arith.subf %min3A_611, %max3A_609 : vector<16xf32>
        %max3A_617 = arith.constant 0.000000e+00 : f32
        %max3A_618 = vector.broadcast %max3A_617 : f32 to vector<16xf32>
        %max3A_619 = arith.maximumf %sub3A_616, %max3A_618 : vector<16xf32>
        %mul3A_620 = arith.mulf %max3A_615, %max3A_619 : vector<16xf32>
        %add3A_621 = arith.addf %gather3A_293, %get3A_586 : vector<16xf32>
        %sub3A_622 = arith.subf %add3A_621, %mul3A_620 : vector<16xf32>
        %add3A_623 = arith.constant 9.99999971E-10 : f32
        %add3A_624 = vector.broadcast %add3A_623 : f32 to vector<16xf32>
        %add3A_625 = arith.addf %sub3A_622, %add3A_624 : vector<16xf32>
        %div3A_626 = arith.divf %mul3A_620, %add3A_625 : vector<16xf32>
        %gt3A_627 = arith.constant 5.000000e-01 : f32
        %gt3A_628 = vector.broadcast %gt3A_627 : f32 to vector<16xf32>
        %gt3A_629 = arith.cmpf ogt, %div3A_607, %gt3A_628 : vector<16xf32>
        %gt3A_630 = arith.constant 5.000000e-01 : f32
        %gt3A_631 = vector.broadcast %gt3A_630 : f32 to vector<16xf32>
        %gt3A_632 = arith.cmpf ogt, %div3A_626, %gt3A_631 : vector<16xf32>
        %or3A_633 = arith.ori %gt3A_629, %gt3A_632 : vector<16xi1>
        %jit3A_634 = arith.constant -1.000000e+09 : f32
        %broadcast_in_dim3A_635 = vector.broadcast %jit3A_634 : f32 to vector<16xf32>
        %select_n3A_636 = arith.select %or3A_633, %broadcast_in_dim3A_635, %get3A_588 : vector<16xi1>, vector<16xf32>
        %swap3A_637 = arith.index_cast %mul3A_576 : i32 to index
        %swap3A_638 = tpu.vector_load %arg13[%swap3A_637] {strides = array<i32>} : memref<1280xf32, #tpu.memory_space<vmem>>, vector<16xf32>,
        tpu.vector_store %arg13[%swap3A_637], %select_n3A_636 {strides = array<i32>} : memref<1280xf32, #tpu.memory_space<vmem>>, vector<16xf32>,
        %mul3A_639 = arith.constant 16 : i32
        %mul3A_640 = arith.muli %add3A_574, %mul3A_639 : i32
        %convert_element_type3A_641 = arith.sitofp %mul3A_640 : i32 to f32
        %add3A_642 = arith.addf %mul3A_3, %convert_element_type3A_641 : f32
        %add3A_643 = vector.broadcast %add3A_642 : f32 to vector<16xf32>
        %add3A_644 = arith.addf %add3A_643, %convert_element_type3A : vector<16xf32>
        %gt3A_645 = arith.cmpf ogt, %select_n3A_636, %select_n3A_569 : vector<16xf32>
        %gt3A_646 = arith.cmpf ogt, %select_n3A_636, %select_n3A_566 : vector<16xf32>
        %select_n3A_647 = arith.select %gt3A_646, %select_n3A_636, %select_n3A_566 : vector<16xi1>, vector<16xf32>
        %select_n3A_648 = arith.select %gt3A_645, %select_n3A_569, %select_n3A_647 : vector<16xi1>, vector<16xf32>
        %select_n3A_649 = arith.select %gt3A_646, %add3A_644, %select_n3A_568 : vector<16xi1>, vector<16xf32>
        %select_n3A_650 = arith.select %gt3A_645, %select_n3A_570, %select_n3A_649 : vector<16xi1>, vector<16xf32>
        %select_n3A_651 = arith.select %gt3A_645, %select_n3A_636, %select_n3A_569 : vector<16xi1>, vector<16xf32>
        %select_n3A_652 = arith.select %gt3A_645, %add3A_644, %select_n3A_570 : vector<16xi1>, vector<16xf32>
        %mul3A_653 = arith.constant 4 : i32
        %mul3A_654 = arith.muli %scan3A_486, %mul3A_653 : i32
        %add3A_655 = arith.constant 2 : i32
        %add3A_656 = arith.addi %mul3A_654, %add3A_655 : i32
        %mul3A_657 = arith.constant 16 : i32
        %mul3A_658 = arith.muli %add3A_656, %mul3A_657 : i32
        %get3A_659 = arith.index_cast %mul3A_658 : i32 to index
        %get3A_660 = tpu.vector_load %arg4[%get3A_659] {strides = array<i32>} : memref<1280xf32, #tpu.memory_space<vmem>>, vector<16xf32>,
        %get3A_661 = arith.index_cast %mul3A_658 : i32 to index
        %get3A_662 = tpu.vector_load %arg5[%get3A_661] {strides = array<i32>} : memref<1280xf32, #tpu.memory_space<vmem>>, vector<16xf32>,
        %get3A_663 = arith.index_cast %mul3A_658 : i32 to index
        %get3A_664 = tpu.vector_load %arg6[%get3A_663] {strides = array<i32>} : memref<1280xf32, #tpu.memory_space<vmem>>, vector<16xf32>,
        %get3A_665 = arith.index_cast %mul3A_658 : i32 to index
        %get3A_666 = tpu.vector_load %arg7[%get3A_665] {strides = array<i32>} : memref<1280xf32, #tpu.memory_space<vmem>>, vector<16xf32>,
        %get3A_667 = arith.index_cast %mul3A_658 : i32 to index
        %get3A_668 = tpu.vector_load %arg12[%get3A_667] {strides = array<i32>} : memref<1280xf32, #tpu.memory_space<vmem>>, vector<16xf32>,
        %get3A_669 = arith.index_cast %mul3A_658 : i32 to index
        %get3A_670 = tpu.vector_load %arg13[%get3A_669] {strides = array<i32>} : memref<1280xf32, #tpu.memory_space<vmem>>, vector<16xf32>,
        %max3A_671 = arith.maximumf %gather3A_259, %get3A_660 : vector<16xf32>
        %max3A_672 = arith.maximumf %gather3A_263, %get3A_662 : vector<16xf32>
        %min3A_673 = arith.minimumf %gather3A_267, %get3A_664 : vector<16xf32>
        %min3A_674 = arith.minimumf %gather3A_271, %get3A_666 : vector<16xf32>
        %sub3A_675 = arith.subf %min3A_673, %max3A_671 : vector<16xf32>
        %max3A_676 = arith.constant 0.000000e+00 : f32
        %max3A_677 = vector.broadcast %max3A_676 : f32 to vector<16xf32>
        %max3A_678 = arith.maximumf %sub3A_675, %max3A_677 : vector<16xf32>
        %sub3A_679 = arith.subf %min3A_674, %max3A_672 : vector<16xf32>
        %max3A_680 = arith.constant 0.000000e+00 : f32
        %max3A_681 = vector.broadcast %max3A_680 : f32 to vector<16xf32>
        %max3A_682 = arith.maximumf %sub3A_679, %max3A_681 : vector<16xf32>
        %mul3A_683 = arith.mulf %max3A_678, %max3A_682 : vector<16xf32>
        %add3A_684 = arith.addf %gather3A_275, %get3A_668 : vector<16xf32>
        %sub3A_685 = arith.subf %add3A_684, %mul3A_683 : vector<16xf32>
        %add3A_686 = arith.constant 9.99999971E-10 : f32
        %add3A_687 = vector.broadcast %add3A_686 : f32 to vector<16xf32>
        %add3A_688 = arith.addf %sub3A_685, %add3A_687 : vector<16xf32>
        %div3A_689 = arith.divf %mul3A_683, %add3A_688 : vector<16xf32>
        %max3A_690 = arith.maximumf %select_n3A_364, %get3A_660 : vector<16xf32>
        %max3A_691 = arith.maximumf %select_n3A_367, %get3A_662 : vector<16xf32>
        %min3A_692 = arith.minimumf %select_n3A_370, %get3A_664 : vector<16xf32>
        %min3A_693 = arith.minimumf %select_n3A_373, %get3A_666 : vector<16xf32>
        %sub3A_694 = arith.subf %min3A_692, %max3A_690 : vector<16xf32>
        %max3A_695 = arith.constant 0.000000e+00 : f32
        %max3A_696 = vector.broadcast %max3A_695 : f32 to vector<16xf32>
        %max3A_697 = arith.maximumf %sub3A_694, %max3A_696 : vector<16xf32>
        %sub3A_698 = arith.subf %min3A_693, %max3A_691 : vector<16xf32>
        %max3A_699 = arith.constant 0.000000e+00 : f32
        %max3A_700 = vector.broadcast %max3A_699 : f32 to vector<16xf32>
        %max3A_701 = arith.maximumf %sub3A_698, %max3A_700 : vector<16xf32>
        %mul3A_702 = arith.mulf %max3A_697, %max3A_701 : vector<16xf32>
        %add3A_703 = arith.addf %gather3A_293, %get3A_668 : vector<16xf32>
        %sub3A_704 = arith.subf %add3A_703, %mul3A_702 : vector<16xf32>
        %add3A_705 = arith.constant 9.99999971E-10 : f32
        %add3A_706 = vector.broadcast %add3A_705 : f32 to vector<16xf32>
        %add3A_707 = arith.addf %sub3A_704, %add3A_706 : vector<16xf32>
        %div3A_708 = arith.divf %mul3A_702, %add3A_707 : vector<16xf32>
        %gt3A_709 = arith.constant 5.000000e-01 : f32
        %gt3A_710 = vector.broadcast %gt3A_709 : f32 to vector<16xf32>
        %gt3A_711 = arith.cmpf ogt, %div3A_689, %gt3A_710 : vector<16xf32>
        %gt3A_712 = arith.constant 5.000000e-01 : f32
        %gt3A_713 = vector.broadcast %gt3A_712 : f32 to vector<16xf32>
        %gt3A_714 = arith.cmpf ogt, %div3A_708, %gt3A_713 : vector<16xf32>
        %or3A_715 = arith.ori %gt3A_711, %gt3A_714 : vector<16xi1>
        %jit3A_716 = arith.constant -1.000000e+09 : f32
        %broadcast_in_dim3A_717 = vector.broadcast %jit3A_716 : f32 to vector<16xf32>
        %select_n3A_718 = arith.select %or3A_715, %broadcast_in_dim3A_717, %get3A_670 : vector<16xi1>, vector<16xf32>
        %swap3A_719 = arith.index_cast %mul3A_658 : i32 to index
        %swap3A_720 = tpu.vector_load %arg13[%swap3A_719] {strides = array<i32>} : memref<1280xf32, #tpu.memory_space<vmem>>, vector<16xf32>,
        tpu.vector_store %arg13[%swap3A_719], %select_n3A_718 {strides = array<i32>} : memref<1280xf32, #tpu.memory_space<vmem>>, vector<16xf32>,
        %mul3A_721 = arith.constant 16 : i32
        %mul3A_722 = arith.muli %add3A_656, %mul3A_721 : i32
        %convert_element_type3A_723 = arith.sitofp %mul3A_722 : i32 to f32
        %add3A_724 = arith.addf %mul3A_3, %convert_element_type3A_723 : f32
        %add3A_725 = vector.broadcast %add3A_724 : f32 to vector<16xf32>
        %add3A_726 = arith.addf %add3A_725, %convert_element_type3A : vector<16xf32>
        %gt3A_727 = arith.cmpf ogt, %select_n3A_718, %select_n3A_651 : vector<16xf32>
        %gt3A_728 = arith.cmpf ogt, %select_n3A_718, %select_n3A_648 : vector<16xf32>
        %select_n3A_729 = arith.select %gt3A_728, %select_n3A_718, %select_n3A_648 : vector<16xi1>, vector<16xf32>
        %select_n3A_730 = arith.select %gt3A_727, %select_n3A_651, %select_n3A_729 : vector<16xi1>, vector<16xf32>
        %select_n3A_731 = arith.select %gt3A_728, %add3A_726, %select_n3A_650 : vector<16xi1>, vector<16xf32>
        %select_n3A_732 = arith.select %gt3A_727, %select_n3A_652, %select_n3A_731 : vector<16xi1>, vector<16xf32>
        %select_n3A_733 = arith.select %gt3A_727, %select_n3A_718, %select_n3A_651 : vector<16xi1>, vector<16xf32>
        %select_n3A_734 = arith.select %gt3A_727, %add3A_726, %select_n3A_652 : vector<16xi1>, vector<16xf32>
        %mul3A_735 = arith.constant 4 : i32
        %mul3A_736 = arith.muli %scan3A_486, %mul3A_735 : i32
        %add3A_737 = arith.constant 3 : i32
        %add3A_738 = arith.addi %mul3A_736, %add3A_737 : i32
        %mul3A_739 = arith.constant 16 : i32
        %mul3A_740 = arith.muli %add3A_738, %mul3A_739 : i32
        %get3A_741 = arith.index_cast %mul3A_740 : i32 to index
        %get3A_742 = tpu.vector_load %arg4[%get3A_741] {strides = array<i32>} : memref<1280xf32, #tpu.memory_space<vmem>>, vector<16xf32>,
        %get3A_743 = arith.index_cast %mul3A_740 : i32 to index
        %get3A_744 = tpu.vector_load %arg5[%get3A_743] {strides = array<i32>} : memref<1280xf32, #tpu.memory_space<vmem>>, vector<16xf32>,
        %get3A_745 = arith.index_cast %mul3A_740 : i32 to index
        %get3A_746 = tpu.vector_load %arg6[%get3A_745] {strides = array<i32>} : memref<1280xf32, #tpu.memory_space<vmem>>, vector<16xf32>,
        %get3A_747 = arith.index_cast %mul3A_740 : i32 to index
        %get3A_748 = tpu.vector_load %arg7[%get3A_747] {strides = array<i32>} : memref<1280xf32, #tpu.memory_space<vmem>>, vector<16xf32>,
        %get3A_749 = arith.index_cast %mul3A_740 : i32 to index
        %get3A_750 = tpu.vector_load %arg12[%get3A_749] {strides = array<i32>} : memref<1280xf32, #tpu.memory_space<vmem>>, vector<16xf32>,
        %get3A_751 = arith.index_cast %mul3A_740 : i32 to index
        %get3A_752 = tpu.vector_load %arg13[%get3A_751] {strides = array<i32>} : memref<1280xf32, #tpu.memory_space<vmem>>, vector<16xf32>,
        %max3A_753 = arith.maximumf %gather3A_259, %get3A_742 : vector<16xf32>
        %max3A_754 = arith.maximumf %gather3A_263, %get3A_744 : vector<16xf32>
        %min3A_755 = arith.minimumf %gather3A_267, %get3A_746 : vector<16xf32>
        %min3A_756 = arith.minimumf %gather3A_271, %get3A_748 : vector<16xf32>
        %sub3A_757 = arith.subf %min3A_755, %max3A_753 : vector<16xf32>
        %max3A_758 = arith.constant 0.000000e+00 : f32
        %max3A_759 = vector.broadcast %max3A_758 : f32 to vector<16xf32>
        %max3A_760 = arith.maximumf %sub3A_757, %max3A_759 : vector<16xf32>
        %sub3A_761 = arith.subf %min3A_756, %max3A_754 : vector<16xf32>
        %max3A_762 = arith.constant 0.000000e+00 : f32
        %max3A_763 = vector.broadcast %max3A_762 : f32 to vector<16xf32>
        %max3A_764 = arith.maximumf %sub3A_761, %max3A_763 : vector<16xf32>
        %mul3A_765 = arith.mulf %max3A_760, %max3A_764 : vector<16xf32>
        %add3A_766 = arith.addf %gather3A_275, %get3A_750 : vector<16xf32>
        %sub3A_767 = arith.subf %add3A_766, %mul3A_765 : vector<16xf32>
        %add3A_768 = arith.constant 9.99999971E-10 : f32
        %add3A_769 = vector.broadcast %add3A_768 : f32 to vector<16xf32>
        %add3A_770 = arith.addf %sub3A_767, %add3A_769 : vector<16xf32>
        %div3A_771 = arith.divf %mul3A_765, %add3A_770 : vector<16xf32>
        %max3A_772 = arith.maximumf %select_n3A_364, %get3A_742 : vector<16xf32>
        %max3A_773 = arith.maximumf %select_n3A_367, %get3A_744 : vector<16xf32>
        %min3A_774 = arith.minimumf %select_n3A_370, %get3A_746 : vector<16xf32>
        %min3A_775 = arith.minimumf %select_n3A_373, %get3A_748 : vector<16xf32>
        %sub3A_776 = arith.subf %min3A_774, %max3A_772 : vector<16xf32>
        %max3A_777 = arith.constant 0.000000e+00 : f32
        %max3A_778 = vector.broadcast %max3A_777 : f32 to vector<16xf32>
        %max3A_779 = arith.maximumf %sub3A_776, %max3A_778 : vector<16xf32>
        %sub3A_780 = arith.subf %min3A_775, %max3A_773 : vector<16xf32>
        %max3A_781 = arith.constant 0.000000e+00 : f32
        %max3A_782 = vector.broadcast %max3A_781 : f32 to vector<16xf32>
        %max3A_783 = arith.maximumf %sub3A_780, %max3A_782 : vector<16xf32>
        %mul3A_784 = arith.mulf %max3A_779, %max3A_783 : vector<16xf32>
        %add3A_785 = arith.addf %gather3A_293, %get3A_750 : vector<16xf32>
        %sub3A_786 = arith.subf %add3A_785, %mul3A_784 : vector<16xf32>
        %add3A_787 = arith.constant 9.99999971E-10 : f32
        %add3A_788 = vector.broadcast %add3A_787 : f32 to vector<16xf32>
        %add3A_789 = arith.addf %sub3A_786, %add3A_788 : vector<16xf32>
        %div3A_790 = arith.divf %mul3A_784, %add3A_789 : vector<16xf32>
        %gt3A_791 = arith.constant 5.000000e-01 : f32
        %gt3A_792 = vector.broadcast %gt3A_791 : f32 to vector<16xf32>
        %gt3A_793 = arith.cmpf ogt, %div3A_771, %gt3A_792 : vector<16xf32>
        %gt3A_794 = arith.constant 5.000000e-01 : f32
        %gt3A_795 = vector.broadcast %gt3A_794 : f32 to vector<16xf32>
        %gt3A_796 = arith.cmpf ogt, %div3A_790, %gt3A_795 : vector<16xf32>
        %or3A_797 = arith.ori %gt3A_793, %gt3A_796 : vector<16xi1>
        %jit3A_798 = arith.constant -1.000000e+09 : f32
        %broadcast_in_dim3A_799 = vector.broadcast %jit3A_798 : f32 to vector<16xf32>
        %select_n3A_800 = arith.select %or3A_797, %broadcast_in_dim3A_799, %get3A_752 : vector<16xi1>, vector<16xf32>
        %swap3A_801 = arith.index_cast %mul3A_740 : i32 to index
        %swap3A_802 = tpu.vector_load %arg13[%swap3A_801] {strides = array<i32>} : memref<1280xf32, #tpu.memory_space<vmem>>, vector<16xf32>,
        tpu.vector_store %arg13[%swap3A_801], %select_n3A_800 {strides = array<i32>} : memref<1280xf32, #tpu.memory_space<vmem>>, vector<16xf32>,
        %mul3A_803 = arith.constant 16 : i32
        %mul3A_804 = arith.muli %add3A_738, %mul3A_803 : i32
        %convert_element_type3A_805 = arith.sitofp %mul3A_804 : i32 to f32
        %add3A_806 = arith.addf %mul3A_3, %convert_element_type3A_805 : f32
        %add3A_807 = vector.broadcast %add3A_806 : f32 to vector<16xf32>
        %add3A_808 = arith.addf %add3A_807, %convert_element_type3A : vector<16xf32>
        %gt3A_809 = arith.cmpf ogt, %select_n3A_800, %select_n3A_733 : vector<16xf32>
        %gt3A_810 = arith.cmpf ogt, %select_n3A_800, %select_n3A_730 : vector<16xf32>
        %select_n3A_811 = arith.select %gt3A_810, %select_n3A_800, %select_n3A_730 : vector<16xi1>, vector<16xf32>
        %select_n3A_812 = arith.select %gt3A_809, %select_n3A_733, %select_n3A_811 : vector<16xi1>, vector<16xf32>
        %select_n3A_813 = arith.select %gt3A_810, %add3A_808, %select_n3A_732 : vector<16xi1>, vector<16xf32>
        %select_n3A_814 = arith.select %gt3A_809, %select_n3A_734, %select_n3A_813 : vector<16xi1>, vector<16xf32>
        %select_n3A_815 = arith.select %gt3A_809, %select_n3A_800, %select_n3A_733 : vector<16xi1>, vector<16xf32>
        %select_n3A_816 = arith.select %gt3A_809, %add3A_808, %select_n3A_734 : vector<16xi1>, vector<16xf32>
        scf.yield %select_n3A_815, %select_n3A_816, %select_n3A_812, %select_n3A_814 : vector<16xf32>, vector<16xf32>, vector<16xf32>, vector<16xf32>
      }
      %scan3A_379 = arith.constant 20 : i32
      %reduce_max3A_380 = arith.constant true
      %reduce_max3A_381 = vector.broadcast %reduce_max3A_380 : i1 to vector<16xi1>
      %reduce_max3A_382 = tpu.scan <max>, %scan3A_378#0 masked %reduce_max3A_381 : vector<16xf32>, vector<16xi1> -> vector<16xf32>
      %reduce_max3A_383 = vector.extract %reduce_max3A_382[15] : f32 from vector<16xf32>
      %broadcast_in_dim3A_384 = vector.broadcast %reduce_max3A_383 : f32 to vector<16xf32>
      %eq3A_385 = arith.cmpf oeq, %scan3A_378#0, %broadcast_in_dim3A_384 : vector<16xf32>
      %jit3A_386 = arith.constant 3.000000e+38 : f32
      %broadcast_in_dim3A_387 = vector.broadcast %jit3A_386 : f32 to vector<16xf32>
      %select_n3A_388 = arith.select %eq3A_385, %scan3A_378#1, %broadcast_in_dim3A_387 : vector<16xi1>, vector<16xf32>
      %reduce_min3A_389 = arith.constant true
      %reduce_min3A_390 = vector.broadcast %reduce_min3A_389 : i1 to vector<16xi1>
      %reduce_min3A_391 = tpu.scan <min>, %select_n3A_388 masked %reduce_min3A_390 : vector<16xf32>, vector<16xi1> -> vector<16xf32>
      %reduce_min3A_392 = vector.extract %reduce_min3A_391[15] : f32 from vector<16xf32>
      %broadcast_in_dim3A_393 = vector.broadcast %reduce_max3A_383 : f32 to vector<16xf32>
      %eq3A_394 = arith.cmpf oeq, %scan3A_378#0, %broadcast_in_dim3A_393 : vector<16xf32>
      %broadcast_in_dim3A_395 = vector.broadcast %reduce_min3A_392 : f32 to vector<16xf32>
      %eq3A_396 = arith.cmpf oeq, %scan3A_378#1, %broadcast_in_dim3A_395 : vector<16xf32>
      %and3A_397 = arith.andi %eq3A_394, %eq3A_396 : vector<16xi1>
      %select_n3A_398 = arith.select %and3A_397, %scan3A_378#2, %scan3A_378#0 : vector<16xi1>, vector<16xf32>
      %select_n3A_399 = arith.select %and3A_397, %scan3A_378#3, %scan3A_378#1 : vector<16xi1>, vector<16xf32>
      %reduce_max3A_400 = arith.constant true
      %reduce_max3A_401 = vector.broadcast %reduce_max3A_400 : i1 to vector<16xi1>
      %reduce_max3A_402 = tpu.scan <max>, %select_n3A_398 masked %reduce_max3A_401 : vector<16xf32>, vector<16xi1> -> vector<16xf32>
      %reduce_max3A_403 = vector.extract %reduce_max3A_402[15] : f32 from vector<16xf32>
      %broadcast_in_dim3A_404 = vector.broadcast %reduce_max3A_403 : f32 to vector<16xf32>
      %eq3A_405 = arith.cmpf oeq, %select_n3A_398, %broadcast_in_dim3A_404 : vector<16xf32>
      %jit3A_406 = arith.constant 3.000000e+38 : f32
      %broadcast_in_dim3A_407 = vector.broadcast %jit3A_406 : f32 to vector<16xf32>
      %select_n3A_408 = arith.select %eq3A_405, %select_n3A_399, %broadcast_in_dim3A_407 : vector<16xi1>, vector<16xf32>
      %reduce_min3A_409 = arith.constant true
      %reduce_min3A_410 = vector.broadcast %reduce_min3A_409 : i1 to vector<16xi1>
      %reduce_min3A_411 = tpu.scan <min>, %select_n3A_408 masked %reduce_min3A_410 : vector<16xf32>, vector<16xi1> -> vector<16xf32>
      %reduce_min3A_412 = vector.extract %reduce_min3A_411[15] : f32 from vector<16xf32>
      %broadcast_in_dim3A_413 = vector.broadcast %reduce_max3A_383 : f32 to vector<16xf32>
      %broadcast_in_dim3A_414 = vector.broadcast %reduce_min3A_392 : f32 to vector<16xf32>
      %convert_element_type3A_415 = arith.fptosi %reduce_min3A_392 : f32 to i32
      %sub3A_416 = arith.subi %convert_element_type3A_415, %mul3A_0 : i32
      %broadcast_in_dim3A_417 = vector.broadcast %sub3A_416 : i32 to vector<16xi32>
      %gather3A_418 = tpu.vector_load_idx %arg4[%broadcast_in_dim3A_417] : memref<1280xf32, #tpu.memory_space<vmem>>[vector<16xi32>], vector<16xf32>,
      %gather3A_419 = tpu.vector_load_idx %arg5[%broadcast_in_dim3A_417] : memref<1280xf32, #tpu.memory_space<vmem>>[vector<16xi32>], vector<16xf32>,
      %gather3A_420 = tpu.vector_load_idx %arg6[%broadcast_in_dim3A_417] : memref<1280xf32, #tpu.memory_space<vmem>>[vector<16xi32>], vector<16xf32>,
      %gather3A_421 = tpu.vector_load_idx %arg7[%broadcast_in_dim3A_417] : memref<1280xf32, #tpu.memory_space<vmem>>[vector<16xi32>], vector<16xf32>,
      %gather3A_422 = tpu.vector_load_idx %arg12[%broadcast_in_dim3A_417] : memref<1280xf32, #tpu.memory_space<vmem>>[vector<16xi32>], vector<16xf32>,
      %eq3A_423 = arith.constant 0 : i32
      %eq3A_424 = vector.broadcast %eq3A_423 : i32 to vector<16xi32>
      %eq3A_425 = arith.cmpi eq, %iota3A, %eq3A_424 : vector<16xi32>
      %eq3A_426 = arith.constant 1 : i32
      %eq3A_427 = vector.broadcast %eq3A_426 : i32 to vector<16xi32>
      %eq3A_428 = arith.cmpi eq, %iota3A, %eq3A_427 : vector<16xi32>
      %eq3A_429 = arith.constant 2 : i32
      %eq3A_430 = vector.broadcast %eq3A_429 : i32 to vector<16xi32>
      %eq3A_431 = arith.cmpi eq, %iota3A, %eq3A_430 : vector<16xi32>
      %eq3A_432 = arith.constant 3 : i32
      %eq3A_433 = vector.broadcast %eq3A_432 : i32 to vector<16xi32>
      %eq3A_434 = arith.cmpi eq, %iota3A, %eq3A_433 : vector<16xi32>
      %eq3A_435 = arith.constant 4 : i32
      %eq3A_436 = vector.broadcast %eq3A_435 : i32 to vector<16xi32>
      %eq3A_437 = arith.cmpi eq, %iota3A, %eq3A_436 : vector<16xi32>
      %eq3A_438 = arith.constant 5 : i32
      %eq3A_439 = vector.broadcast %eq3A_438 : i32 to vector<16xi32>
      %eq3A_440 = arith.cmpi eq, %iota3A, %eq3A_439 : vector<16xi32>
      %select_n3A_441 = arith.select %eq3A_440, %gather3A_422, %broadcast_in_dim3A_414 : vector<16xi1>, vector<16xf32>
      %select_n3A_442 = arith.select %eq3A_437, %broadcast_in_dim3A_413, %select_n3A_441 : vector<16xi1>, vector<16xf32>
      %select_n3A_443 = arith.select %eq3A_434, %gather3A_421, %select_n3A_442 : vector<16xi1>, vector<16xf32>
      %select_n3A_444 = arith.select %eq3A_431, %gather3A_420, %select_n3A_443 : vector<16xi1>, vector<16xf32>
      %select_n3A_445 = arith.select %eq3A_428, %gather3A_419, %select_n3A_444 : vector<16xi1>, vector<16xf32>
      %select_n3A_446 = arith.select %eq3A_425, %gather3A_418, %select_n3A_445 : vector<16xi1>, vector<16xf32>
      %broadcast_in_dim3A_447 = vector.broadcast %reduce_max3A_403 : f32 to vector<16xf32>
      %broadcast_in_dim3A_448 = vector.broadcast %reduce_min3A_412 : f32 to vector<16xf32>
      %convert_element_type3A_449 = arith.fptosi %reduce_min3A_412 : f32 to i32
      %sub3A_450 = arith.subi %convert_element_type3A_449, %mul3A_0 : i32
      %broadcast_in_dim3A_451 = vector.broadcast %sub3A_450 : i32 to vector<16xi32>
      %gather3A_452 = tpu.vector_load_idx %arg4[%broadcast_in_dim3A_451] : memref<1280xf32, #tpu.memory_space<vmem>>[vector<16xi32>], vector<16xf32>,
      %gather3A_453 = tpu.vector_load_idx %arg5[%broadcast_in_dim3A_451] : memref<1280xf32, #tpu.memory_space<vmem>>[vector<16xi32>], vector<16xf32>,
      %gather3A_454 = tpu.vector_load_idx %arg6[%broadcast_in_dim3A_451] : memref<1280xf32, #tpu.memory_space<vmem>>[vector<16xi32>], vector<16xf32>,
      %gather3A_455 = tpu.vector_load_idx %arg7[%broadcast_in_dim3A_451] : memref<1280xf32, #tpu.memory_space<vmem>>[vector<16xi32>], vector<16xf32>,
      %gather3A_456 = tpu.vector_load_idx %arg12[%broadcast_in_dim3A_451] : memref<1280xf32, #tpu.memory_space<vmem>>[vector<16xi32>], vector<16xf32>,
      %eq3A_457 = arith.constant 0 : i32
      %eq3A_458 = vector.broadcast %eq3A_457 : i32 to vector<16xi32>
      %eq3A_459 = arith.cmpi eq, %iota3A, %eq3A_458 : vector<16xi32>
      %eq3A_460 = arith.constant 1 : i32
      %eq3A_461 = vector.broadcast %eq3A_460 : i32 to vector<16xi32>
      %eq3A_462 = arith.cmpi eq, %iota3A, %eq3A_461 : vector<16xi32>
      %eq3A_463 = arith.constant 2 : i32
      %eq3A_464 = vector.broadcast %eq3A_463 : i32 to vector<16xi32>
      %eq3A_465 = arith.cmpi eq, %iota3A, %eq3A_464 : vector<16xi32>
      %eq3A_466 = arith.constant 3 : i32
      %eq3A_467 = vector.broadcast %eq3A_466 : i32 to vector<16xi32>
      %eq3A_468 = arith.cmpi eq, %iota3A, %eq3A_467 : vector<16xi32>
      %eq3A_469 = arith.constant 4 : i32
      %eq3A_470 = vector.broadcast %eq3A_469 : i32 to vector<16xi32>
      %eq3A_471 = arith.cmpi eq, %iota3A, %eq3A_470 : vector<16xi32>
      %eq3A_472 = arith.constant 5 : i32
      %eq3A_473 = vector.broadcast %eq3A_472 : i32 to vector<16xi32>
      %eq3A_474 = arith.cmpi eq, %iota3A, %eq3A_473 : vector<16xi32>
      %select_n3A_475 = arith.select %eq3A_474, %gather3A_456, %broadcast_in_dim3A_448 : vector<16xi1>, vector<16xf32>
      %select_n3A_476 = arith.select %eq3A_471, %broadcast_in_dim3A_447, %select_n3A_475 : vector<16xi1>, vector<16xf32>
      %select_n3A_477 = arith.select %eq3A_468, %gather3A_455, %select_n3A_476 : vector<16xi1>, vector<16xf32>
      %select_n3A_478 = arith.select %eq3A_465, %gather3A_454, %select_n3A_477 : vector<16xi1>, vector<16xf32>
      %select_n3A_479 = arith.select %eq3A_462, %gather3A_453, %select_n3A_478 : vector<16xi1>, vector<16xf32>
      %select_n3A_480 = arith.select %eq3A_459, %gather3A_452, %select_n3A_479 : vector<16xi1>, vector<16xf32>
      %add3A_481 = arith.constant 1 : i32
      %add3A_482 = arith.addi %while3A_135, %add3A_481 : i32
      %add3A_483 = arith.addi %add3A_482, %reduce_max3A_330 : i32
      %add3A_484 = arith.constant 1 : i32
      %add3A_485 = arith.addi %while3A_136, %add3A_484 : i32
      scf.yield %add3A_483, %add3A_485, %select_n3A_446, %select_n3A_480 : i32, i32, vector<16xf32>, vector<16xf32>
    }
    %eq3A_128 = arith.constant 0 : i32
    %eq3A_129 = arith.cmpi eq, %arg1, %eq3A_128 : i32
    %eq3A_130 = arith.constant 0 : i32
    %eq3A_131 = arith.cmpi eq, %arg0, %eq3A_130 : i32
    %and3A_132 = arith.andi %eq3A_129, %eq3A_131 : i1
    %convert_element_type3A_133 = arith.extui %and3A_132 : i1 to i32
    %cond3A = arith.constant 0 : i32
    %cond3A_134 = arith.cmpi ne, %convert_element_type3A_133, %cond3A : i32
    scf.if %cond3A_134 {
      "tpu.region"() ({
        %run_scoped3A = tpu.sem_alloc : memref<!tpu.dma_semaphore, #tpu.memory_space<semaphore_mem>>
        tpu.enqueue_dma source(%arg16 : memref<1664xf32, #tpu.memory_space<vmem>>) target(%arg3 : memref<1664xf32, #tpu.memory_space<hbm>>) target_semaphore(%run_scoped3A : memref<!tpu.dma_semaphore, #tpu.memory_space<semaphore_mem>>)
        tpu.wait_dma2 semaphore(%run_scoped3A : memref<!tpu.dma_semaphore, #tpu.memory_space<semaphore_mem>>) src(%arg16 : memref<1664xf32, #tpu.memory_space<vmem>>) dst(%arg3 : memref<1664xf32, #tpu.memory_space<hbm>>)
        tpu.yield
      }) : () -> ()
    } else {
    }
    return
  }
}

</mosaic_0001>

<sc_bundles>
// kernel: kernel.3.cloned.1.call-start
scs
__scs_entry_jumppad:
0x0: {  	(pc) =	sbr.rel $0x88, $3  }
0x1: {  	(tag) =	ssettag $0x0;
	lr =	simm.s32 $0x1  }
0x2: {  	[smem:$0x3F9E] =	sst lr;
	_ =	strace $0xD0000000  }
0x3: {  	_ = 	snop  }
0x4: {  	_ = 	snop  }
0x5: {  	_ = 	snop  }
0x6: {  	_ = 	snop  }
0x7: {  	_ = 	snop  }
__scs_overlays_trampoline_lowered:
0x8: {  	[smem:$0x3FAD] =	sst s0  }
0x9: {  	[smem:$0x3FAE] =	sst s1  }
0xa: {  	[smem:$0x3FAF] =	sst s2  }
0xb: {  	[smem:$0x3FB0] =	sst s3  }
0xc: {  	[smem:$0x3FB1] =	sst s4  }
0xd: {  	[smem:$0x3FB2] =	sst s5  }
0xe: {  	[smem:$0x3FB3] =	sst s6  }
0xf: {  	[smem:$0x3FB4] =	sst s7  }
0x10: {  	[smem:$0x3FB5] =	sst s8  }
0x11: {  	[smem:$0x3FB6] =	sst s9;
	s0 =	simm.s32 @!p0 $0x0  }
0x12: {  	s1 =	sld [smem:$0x3F9C];
	s0 =	simm.s32 @p0 $0x1  }
0x13: {  	[smem:$0x3FB7] =	sst s0;
	s0 =	simm.s32 @!p1 $0x0  }
0x14: {  	s2 =	sld [smem:$0x3F9B];
	s0 =	simm.s32 @p1 $0x1  }
0x15: {  	[smem:$0x3FB8] =	sst s0;
	s0 =	simm.s32 @!p2 $0x0  }
0x16: {  	s3 =	sld [smem:$0x3FDB];
	s0 =	simm.s32 @p2 $0x1  }
0x17: {  	s4 =	simm.s32 $0x1BF5;
	[smem:$0x3FBA] =	sst s0  }
0x18: {  	s0 =	sld [smem:$0x3F9D];
	_ =	swait.ge [sflag:s4], $0x0  }
0x19: {  	s7 =	sld [smem:$0x3F9E]  }
0x1a: {  	s8 =	sadd.s32 $0xFFFFE003, lr  }
0x1b: {  	s9 =	sadd.s32 $0xFFFFFEF7, lr;
	s5 =	simm.s32 $0xFFFFFFFF;
	p2 =	slt.u32 s8, $0xFFFFF086  }
0x1c: {  	p1 =	slt.u32 s9, $0xF7A;
	s5 =	simm.s32 @!p2 $0x0  }
0x1d: {  	s5 =	simm.s32 @p1 $0x1;
	p0 =	seq.s32 s7, s2  }
0x1e: {  	s7 =	smul.u32 @!p0 $0xF7A, s2;
	p2 =	seq.s32 @!p0 s5, $0x0  }
0x1f: {  	s9 =	smul.u32 $0xF7A, s1;
	s8 =	simm.s32 @!p0 $0x1BF5;
	p2 =	por !p2, p0  }
0x20: {  	[sflag:s8] =	ssyncset.s32 @!p0 $0xFFFFF086;
	s6 =	sadd.s32 @!p0 s3, s7;
	s7 =	simm.s32 @!p0 $0x108  }
0x21: {  	s3 =	sadd.s32 s3, s9;
	s6 =	sadd.s32 @!p0 $0x88, s6;
	s7 =	simm.s32 @p2 $0x1082  }
0x22: {  	[simem:s7], [sflag:s8] =	dma.local @!p0 [hbm:s6], $0xF7A  }
0x23: {  	s9 =	sor.u32 $0xD0000000, s2;
	s6 =	simm.s32 $0x108;
	_ =	swait.ge @!p0 [sflag:s8], $0x0  }
0x24: {  	s3 =	sadd.s32 $0x88, s3;
	s6 =	simm.s32 @!p1 $0x1082;
	[sflag:s4] =	ssyncset.s32 $0xFFFFF086  }
0x25: {  	[simem:s6], [sflag:s4] =	dma.local [hbm:s3], $0xF7A  }
0x26: {  	[smem:$0x3F9E] =	sst s1;
	(tag) =	ssettag s2;
	_ =	strace s9  }
0x27: {  	s1 =	sld [smem:$0x3FAE]  }
0x28: {  	s2 =	sld [smem:$0x3FAF]  }
0x29: {  	s4 =	sld [smem:$0x3FB1]  }
0x2a: {  	p0 =	seq.s32 s5, $0x0;
	s5 =	sld [smem:$0x3FB2]  }
0x2b: {  	s6 =	sld [smem:$0x3FB3]  }
0x2c: {  	s7 =	sld [smem:$0x3FB4]  }
0x2d: {  	s3 =	simm.s32 $0x108;
	s8 =	sld [smem:$0x3FB5]  }
0x2e: {  	s3 =	simm.s32 @!p0 $0x1082;
	s9 =	sld [smem:$0x3FB6]  }
0x2f: {  	lr =	sadd.s32 s0, s3;
	s0 =	sld [smem:$0x3FAD]  }
0x30: {  	s3 =	sld [smem:$0x3FB0]  }
0x31: {  	[smem:$0x3FB9] =	sst s10  }
0x32: {  	s10 =	sld [smem:$0x3FB7];
	_ =	sdelay $0x3  }
0x33: {  	p0 =	seq.s32 s10, $0x1;
	s10 =	sld [smem:$0x3FB9];
	_ =	sdelay $0x3  }
0x34: {  	[smem:$0x3FB9] =	sst s10  }
0x35: {  	s10 =	sld [smem:$0x3FB8];
	_ =	sdelay $0x3  }
0x36: {  	p1 =	seq.s32 s10, $0x1;
	s10 =	sld [smem:$0x3FB9];
	_ =	sdelay $0x3  }
0x37: {  	[smem:$0x3FB9] =	sst s10  }
0x38: {  	s10 =	sld [smem:$0x3FBA]  }
0x39: {  	_ = 	snop;
	(pc) =	sbr.ind lr, $3  }
0x3a: {  	_ = 	snop  }
0x3b: {  	_ = 	snop  }
0x3c: {  	p2 =	seq.s32 s10, $0x1;
	s10 =	sld [smem:$0x3FB9]  }
0x3d: {  	_ =	shalt  }
0x3e: {  	_ =	shalt  }
0x3f: {  	_ =	shalt  }
0x40: {  	_ =	shalt  }
0x41: {  	_ =	shalt  }
0x42: {  	_ =	shalt  }
0x43: {  	_ =	shalt  }
0x44: {  	_ =	shalt  }
0x45: {  	_ =	shalt  }
0x46: {  	_ =	shalt  }
0x47: {  	_ =	shalt  }
0x48: {  	_ =	shalt  }
0x49: {  	_ =	shalt  }
0x4a: {  	_ =	shalt  }
0x4b: {  	_ =	shalt  }
0x4c: {  	_ =	shalt  }
0x4d: {  	_ =	shalt  }
0x4e: {  	_ =	shalt  }
0x4f: {  	_ =	shalt  }
0x50: {  	_ =	shalt  }
0x51: {  	_ =	shalt  }
0x52: {  	_ =	shalt  }
0x53: {  	_ =	shalt  }
0x54: {  	_ =	shalt  }
0x55: {  	_ =	shalt  }
0x56: {  	_ =	shalt  }
0x57: {  	_ =	shalt  }
0x58: {  	_ =	shalt  }
0x59: {  	_ =	shalt  }
0x5a: {  	_ =	shalt  }
0x5b: {  	_ =	shalt  }
0x5c: {  	_ =	shalt  }
0x5d: {  	_ =	shalt  }
0x5e: {  	_ =	shalt  }
0x5f: {  	_ =	shalt  }
0x60: {  	_ =	shalt  }
0x61: {  	_ =	shalt  }
0x62: {  	_ =	shalt  }
0x63: {  	_ =	shalt  }
0x64: {  	_ =	shalt  }
0x65: {  	_ =	shalt  }
0x66: {  	_ =	shalt  }
0x67: {  	_ =	shalt  }
0x68: {  	_ =	shalt  }
0x69: {  	_ =	shalt  }
0x6a: {  	_ =	shalt  }
0x6b: {  	_ =	shalt  }
0x6c: {  	_ =	shalt  }
0x6d: {  	_ =	shalt  }
0x6e: {  	_ =	shalt  }
0x6f: {  	_ =	shalt  }
0x70: {  	_ =	shalt  }
0x71: {  	_ =	shalt  }
0x72: {  	_ =	shalt  }
0x73: {  	_ =	shalt  }
0x74: {  	_ =	shalt  }
0x75: {  	_ =	shalt  }
0x76: {  	_ =	shalt  }
0x77: {  	_ =	shalt  }
0x78: {  	_ =	shalt  }
0x79: {  	_ =	shalt  }
0x7a: {  	_ =	shalt  }
0x7b: {  	_ =	shalt  }
0x7c: {  	_ =	shalt  }
0x7d: {  	_ =	shalt  }
0x7e: {  	_ =	shalt  }
0x7f: {  	_ =	shalt  }
0x80: {  	_ =	shalt  }
0x81: {  	_ =	shalt  }
0x82: {  	_ =	shalt  }
0x83: {  	_ =	shalt  }
0x84: {  	_ =	shalt  }
0x85: {  	_ =	shalt  }
0x86: {  	_ =	shalt  }
0x87: {  	_ =	shalt  }
.Lfunc_end0:
.L_simem_size_0:
called_computation_lowered:
.L_overlay_start_0:
0x88: {  	s0 =	sld [smem:$0x3FD9]  }
0x89: {  	s1 =	sld [smem:$0x3FFE];
	_ =	sdelay $0x3  }
0x8a: {  	s0 =	sadd.s32 s1, s0  }
0x8b: {  	[smem:$0x3FC5] =	sst s0  }
0x8c: {  	_ = 	snop  }
0x8d: {  	(tm) =	ssettm $0x1  }
0x8e: {  	s15 =	sld [smem:$0x3FFB];
	_ =	sdelay $0x3  }
0x8f: {  	_ =	strace s15  }
0x90: {  	s0 =	sld [smem:$0x3FFC];
	_ =	sdelay $0x3  }
0x91: {  	_ =	strace s0  }
0x92: {  	s0 =	sld [smem:$0x3FFD];
	_ =	sdelay $0x3  }
0x93: {  	_ =	strace s0  }
0x94: {  	_ =	strace $0x8FFFFFFF  }
0x95: {  	s16 =	sld [smem:$0x3FDB];
	_ =	sdelay $0x1  }
0x96: {  	s17 =	simm.s32 $_scs_section_size  }
0x97: {  	s2 =	simm.s32 $_size__tile_overlayer_lowered;
	s3 =	simm.s32 $_tile_overlayer_lowered  }
0x98: {  	s20 =	simm.s32 $0x1BFF;
	s19 =	sshll.u32 s3, $0x1;
	s0 =	sadd.s32 s17, s16  }
0x99: {  	s4 =	simm.s32 $0x0;
	s18 =	sshll.u32 s2, $0x1;
	s2 =	sadd.s32 s19, s0  }
0x9a: {  	[timem:s4], [sflag:s20] =	dma.local [hbm:s2], s18  }
0x9b: {  	_ =	swait.ge [sflag:s20], s18  }
0x9c: {  	s1 =	ssub.s32 $0x0, s18;
	[sflag:s20] =	ssyncset.done $0x0  }
0x9d: {  	[sflag:s20] =	ssyncadd.s32 s1;
	_ =	sdelay $0x1  }
0x9e: {  	s21 =	simm.s32 $0x1B8B  }
0x9f: {  	_ =	swait.ge [sflag:s21], $0x1  }
0xa0: {  	[sflag:s21] =	ssyncset.done $0x0  }
0xa1: {  	s23 =	simm.s32 $0x1B8E;
	s22 =	sld [smem:$0x3FFE];
	[sflag:s21] =	ssyncadd.s32 $0xFFFFFFFF  }
0xa2: {  	s24 =	simm.s32 $execute0_lowered;
	[smem:$0x3FD2] =	sst s23  }
0xa3: {  	s2 =	sshll.u32 s24, $0x1;
	_ =	strace $0x80000046;
	[dreg:$0x1] =	wrdreg $0xFFFFFFFF  }
0xa4: {  	s25 =	simm.s32 $_size_execute0_lowered;
	s0 =	sadd.s32 s0, s2;
	[dreg:$0x0] =	wrdreg $0x0  }
0xa5: {  	s2 =	sshll.u32 s25, $0x1;
	[dreg:$0x2] =	wrdreg s0  }
0xa6: {  	[dreg:$0x3] =	wrdreg s2  }
0xa7: {  	[dreg:$0x4] =	wrdreg $0xC0  }
0xa8: {  	_ =	task [dreg:s4], $0x5FFFF  }
0xa9: {  	[dreg:$0x1] =	wrdreg $0xFFFFFFFF  }
0xaa: {  	[dreg:$0x0] =	wrdreg $0x60  }
0xab: {  	[dreg:$0x2] =	wrdreg s22  }
0xac: {  	[dreg:$0x3] =	wrdreg $0x3B000  }
0xad: {  	[dreg:$0x4] =	wrdreg $0x9  }
0xae: {  	_ =	task.clear_ibuf [dreg:s4], $0x5FFFF;
	_ =	strace $0x90000046  }
0xaf: {  	s26 =	simm.s32 $0x9;
	_ =	strace $0x80000048  }
0xb0: {  	_ =	swait.ge [sflag:s26], $0x1  }
0xb1: {  	[sflag:s26] =	ssyncadd.s32 $0xFFFFFFFF  }
0xb2: {  	_ =	strace $0x90000048  }
0xb3: {  	_ =	sfence  }
0xb4: {  	s28 =	sld [smem:$0x0];
	_ =	sdelay $0x1  }
0xb5: {  	s29 =	srdreg.scid  }
0xb6: {  	s30 =	sshll.u32 s29, $0xD;
	s31 =	sshrl.u32 s29, $0x2  }
0xb7: {  	s1 =	sand.u32 $0x1, s29;
	s2 =	sand.u32 $0x4000, s30;
	s0 =	sadd.s32 s31, s28  }
0xb8: {  	s1 =	sor.u32 s2, s1;
	s0 =	sshll.u32 s0, $0x11  }
0xb9: {  	s0 =	sor.u32 s0, s1  }
0xba: {  	s0 =	sadd.s32 $0x8F2B, s0  }
0xbb: {  	[sflag:s0] =	ssyncadd.remote.s32 $0x1  }
0xbc: {  	_ =	sfence.sel $0xFFFF  }
0xbd: {  	[dreg:$0x0] =	wrdreg $0xFFFFFFFF;
	(pc) =	sbr.abs _section_cstart, $3  }
0xbe: {  	[dreg:$0x1] =	wrdreg $0xFFFFFFFF  }
0xbf: {  	_ =	task.clear_ibuf [dreg:s4], $0x2FFFF;
	_ =	strace $0x9FFFFFFF  }
0xc0: {  	(tm) =	ssettm $0x7FFFFFFF  }
0xc1: {  	_ =	shalt  }
tec
execute0_lowered:
.L_overlay_start_1:
0x0: {  	(tag) =	ssettag $0x1  }
0x1: {  	s10 =	stileid.u32  }
0x2: {  	s3 =	rddreg [dreg:$0x0];
	s1 =	smul.u32 $0x500, s10  }
0x3: {  	s2 =	rddreg [dreg:$0x1]  }
0x4: {  	s0 =	rddreg [dreg:$0x2];
	s4 =	simm.s32 $0x0;
	s5 =	sshrl.u32 s1, $0x3  }
0x5: {  	[smem:$0x7FF] =	sst s4;
	s6 =	sadd.s32 s5, s3  }
0x6: {  	s17 =	simm.s32 $0x1;
	_ =	strace $0x80000047;
	s5 =	sadd.s32 $0x400, s6  }
0x7: {  	[tilespmem:s4], [sflag:$0x1] =	stream.linear.gather [hbm4b:s5+s4], $0x500, $0x38;
	[tilespmem:$0x3B40] =	vst v63  }
0x8: {  	_ =	swait.ge [sflag:s17], $0x500  }
0x9: {  	[sflag:s17] =	ssyncset.done $0x0  }
0xa: {  	s8 =	simm.s32 $0x500;
	s7 =	sadd.s32 $0xE00, s6;
	[sflag:s17] =	ssyncadd.s32 $0xFFFFFB00  }
0xb: {  	[tilespmem:s8], [sflag:$0x1] =	stream.linear.gather [hbm4b:s7+s4], $0x500, $0x38;
	[tilespmem:$0x3B40] =	vst v63  }
0xc: {  	_ =	swait.ge [sflag:s17], $0x500  }
0xd: {  	[sflag:s17] =	ssyncset.done $0x0  }
0xe: {  	s19 =	simm.s32 $0xA00;
	s18 =	sadd.s32 $0x1800, s6;
	[sflag:s17] =	ssyncadd.s32 $0xFFFFFB00  }
0xf: {  	[tilespmem:s19], [sflag:$0x1] =	stream.linear.gather [hbm4b:s18+s4], $0x500, $0x38;
	[tilespmem:$0x3B40] =	vst v63  }
0x10: {  	_ =	swait.ge [sflag:s17], $0x500  }
0x11: {  	[sflag:s17] =	ssyncset.done $0x0  }
0x12: {  	s21 =	simm.s32 $0xF00;
	s20 =	sadd.s32 $0x2200, s6;
	[sflag:s17] =	ssyncadd.s32 $0xFFFFFB00  }
0x13: {  	[tilespmem:s21], [sflag:$0x1] =	stream.linear.gather [hbm4b:s20+s4], $0x500, $0x38;
	[tilespmem:$0x3B40] =	vst v63  }
0x14: {  	_ =	swait.ge [sflag:s17], $0x500  }
0x15: {  	[sflag:s17] =	ssyncset.done $0x0  }
0x16: {  	s23 =	simm.s32 $0x1400;
	s22 =	sadd.s32 $0x2C00, s6;
	[sflag:s17] =	ssyncadd.s32 $0xFFFFFB00  }
0x17: {  	[tilespmem:s23], [sflag:$0x1] =	stream.linear.gather [hbm4b:s22+s4], $0x500, $0x38;
	[tilespmem:$0x3B40] =	vst v63  }
0x18: {  	_ =	swait.ge [sflag:s17], $0x500  }
0x19: {  	[sflag:s17] =	ssyncset.done $0x0  }
0x1a: {  	s25 =	simm.s32 $0x1900;
	s24 =	sadd.s32 $0x3600, s6;
	[sflag:s17] =	ssyncadd.s32 $0xFFFFFB00  }
0x1b: {  	v0 =	vimm.f32 $1.500000000e+01;
	vm0 =	vcmask $0x300;
	[tilespmem:s25], [sflag:$0x1] =	stream.linear.gather [hbm4b:s24+s4], $0x500, $0x38;
	[tilespmem:$0x3B40] =	vst v63  }
0x1c: {  	v0 =	vsel vm0, $0x0, v0;
	vm0 =	vcmask $0x704;
	_ =	swait.ge [sflag:s17], $0x500  }
0x1d: {  	vm2 =	vcmask $0xB08;
	v0 =	vsel vm0, $0x3F800000, v0;
	[sflag:s17] =	ssyncset.done $0x0  }
0x1e: {  	s28 =	simm.s32 $0x1E00;
	vm9 =	vcmask $0xF0C;
	v0 =	vsel vm2, $0x40000000, v0;
	s26 =	sadd.s32 $0x4000, s6;
	[sflag:s17] =	ssyncadd.s32 $0xFFFFFB00  }
0x1f: {  	vm10 =	vcmask $0x1310;
	v0 =	vsel vm9, $0x40400000, v0;
	[tilespmem:s28], [sflag:$0x1] =	stream.linear.gather [hbm4b:s26+s4], $0x500, $0x38;
	[tilespmem:$0x3B40] =	vst v63  }
0x20: {  	vm11 =	vcmask $0x1714;
	v0 =	vsel vm10, $0x40800000, v0;
	_ =	swait.ge [sflag:s17], $0x500  }
0x21: {  	vm3 =	vcmask $0x1B18;
	v0 =	vsel vm11, $0x40A00000, v0;
	[sflag:s17] =	ssyncset.done $0x0  }
0x22: {  	s30 =	simm.s32 $0x2300;
	vm13 =	vcmask $0x1F1C;
	s29 =	sadd.s32 $0x4A00, s6;
	v0 =	vsel vm3, $0x40C00000, v0;
	[sflag:s17] =	ssyncadd.s32 $0xFFFFFB00  }
0x23: {  	vm14 =	vcmask $0x2320;
	v0 =	vsel vm13, $0x40E00000, v0;
	[tilespmem:s30], [sflag:$0x1] =	stream.linear.gather [hbm4b:s29+s4], $0x500, $0x38;
	[tilespmem:$0x3B40] =	vst v63  }
0x24: {  	vm4 =	vcmask $0x2724;
	v0 =	vsel vm14, $0x41000000, v0;
	_ =	swait.ge [sflag:s17], $0x500  }
0x25: {  	vm5 =	vcmask $0x2B28;
	v0 =	vsel vm4, $0x41100000, v0;
	[sflag:s17] =	ssyncset.done $0x0  }
0x26: {  	s31 =	simm.s32 $0x2D00;
	vm6 =	vcmask $0x2F2C;
	s6 =	sadd.s32 $0x5400, s6;
	v0 =	vsel vm5, $0x41200000, v0;
	[sflag:s17] =	ssyncadd.s32 $0xFFFFFB00  }
0x27: {  	vm12 =	vcmask $0x3330;
	v0 =	vsel vm6, $0x41300000, v0;
	[tilespmem:s31], [sflag:$0x1] =	stream.linear.gather [hbm4b:s6+s4], $0x500, $0x38;
	[tilespmem:$0x3B40] =	vst v63  }
0x28: {  	v4 =	vimm.f32 $-3.000000010e+38;
	vm7 =	vcmask $0x3734;
	v0 =	vsel vm12, $0x41400000, v0;
	_ =	swait.ge [sflag:s17], $0x500  }
0x29: {  	v3 =	vimm.f32 $0.0e+00;
	vm8 =	vcmask $0x3B38;
	v0 =	vsel vm7, $0x41500000, v0;
	[sflag:s17] =	ssyncset.done $0x0  }
0x2a: {  	v1 =	vimm.f32 $0.0e+00;
	v2 =	vimm.f32 $-3.000000010e+38;
	s3 =	sadd.s32 $0x5E00, s3;
	s5 =	smov.u32 s1;
	v0 =	vsel vm8, $0x41600000, v0;
	[sflag:s17] =	ssyncadd.s32 $0xFFFFFB00  }
.LBB2_1:
0x2b: {  	s6 =	sshra.s32 s4, $0x2  }
0x2c: {  	v5 =	vld [tilespmem:s6+$0x1E00]  }
0x2d: {  	v6 =	vld [tilespmem:s6+$0x2300]  }
0x2e: {  	v7 =	vld [tilespmem:s6+$0x0]  }
0x2f: {  	v8 =	vld [tilespmem:s6+$0x500]  }
0x30: {  	v10 =	vld [tilespmem:s6+$0xF00]  }
0x31: {  	v11 =	vld [tilespmem:s6+$0x1E10]  }
0x32: {  	v15 =	vld [tilespmem:s6+$0x2310]  }
0x33: {  	v36 =	vld [tilespmem:s6+$0x510]  }
0x34: {  	v39 =	vld [tilespmem:s6+$0xF10]  }
0x35: {  	v43 =	vld [tilespmem:s6+$0x2D00]  }
0x36: {  	v51 =	vld [tilespmem:s6+$0x20]  }
0x37: {  	v21 =	vld [tilespmem:s6+$0x2320]  }
0x38: {  	v22 =	vld [tilespmem:s6+$0xA20]  }
0x39: {  	v57 =	vld [tilespmem:s6+$0x1E30]  }
0x3a: {  	v25 =	vld [tilespmem:s6+$0x2330]  }
0x3b: {  	s7 =	scvt.s32.f32 s5;
	v62 =	vld [tilespmem:s6+$0x530]  }
0x3c: {  	v28 =	vld [tilespmem:s6+$0xF30];
	v5 =	vmul.f32 $1.442695020e+00, v5  }
0x3d: {  	v9 =	vld [tilespmem:s6+$0xA00];
	v50 =	vadd.f32 s7, v0;
	v6 =	vmul.f32 $1.442695020e+00, v6;
	v11 =	vmul.f32 $1.442695020e+00, v11  }
0x3e: {  	v40 =	vmul.f32 $1.442695020e+00, v15;
	v44 =	vsub.f32 v39, v36;
	vm0 =	vgt.f32 v43, v4  }
0x3f: {  	vm15 =	vgt.f32 v43, v2;
	v56 =	vmul.f32 $1.442695020e+00, v21;
	v21 =	vmul.f32 $1.442695020e+00, v57  }
0x40: {  	v48 =	vld [tilespmem:s6+$0x2D10];
	v22 =	vsub.f32 v22, v51;
	v25 =	vmul.f32 $1.442695020e+00, v25;
	(erf) = vpow2.f32 v5  }
0x41: {  	v33 =	vld [tilespmem:s6+$0x1900];
	v28 =	vsub.f32 v28, v62;
	(erf) = vpow2.f32 v6;
	v6 =	vsub.f32 v10, v8  }
0x42: {  	v23 =	vld [tilespmem:s6+$0x1420];
	v4 =	vsel vm0, v43, v4;
	v3 =	vsel vm0, v50, v3;
	v5 =	vsub.f32 v9, v7  }
0x43: {  	v35 =	vld [tilespmem:s6+$0x10];
	v4 =	vsel vm15, v2, v4;
	v3 =	vsel vm15, v1, v3;
	v6 =	vadd.f32 $1.000000000e+00, v6  }
0x44: {  	v37 =	vld [tilespmem:s6+$0xA10];
	v2 =	vsel vm15, v43, v2;
	v22 =	vadd.f32 $1.000000000e+00, v22;
	(erf) = vpow2.f32 v11  }
0x45: {  	v32 =	vld [tilespmem:s6+$0x1400];
	v1 =	vsel vm15, v50, v1;
	vm0 =	vgt.f32 v48, v4;
	v13 =	vmul.f32 $5.000000000e-01, v6  }
0x46: {  	vm15 =	vgt.f32 v48, v2;
	v5 =	vadd.f32 $1.000000000e+00, v5;
	v63 =	vmul.f32 $5.000000000e-01, v22  }
0x47: {  	v23 =	vmul.f32 v22, v23;
	v10 =	vmul.f32 v6, v33;
	v8 =	vadd.f32 v13, v8  }
0x48: {  	v4 =	vsel vm0, v48, v4;
	(erf) = vpow2.f32 v40;
	v12 =	vmul.f32 $5.000000000e-01, v5  }
0x49: {  	s29 =	sadd.s32 $0x10, s5;
	v45 =	vld [tilespmem:s6+$0x1410];
	v4 =	vsel vm15, v2, v4;
	v14 =	vpop (erf);
	v8 =	vadd.f32 v8, v10;
	v10 =	vsub.f32 v37, v35  }
0x4a: {  	s7 =	scvt.s32.f32 s29;
	v9 =	vmul.f32 v5, v32;
	v7 =	vadd.f32 v12, v7;
	v5 =	vmul.f32 v14, v5;
	v34 =	vpop (erf)  }
0x4b: {  	v2 =	vsel vm15, v48, v2;
	v6 =	vmul.f32 v34, v6;
	v10 =	vadd.f32 $1.000000000e+00, v10  }
0x4c: {  	v32 =	vadd.f32 s7, v0;
	v7 =	vadd.f32 v7, v9;
	v5 =	vmul.f32 $5.000000000e-01, v5  }
0x4d: {  	v37 =	vadd.f32 $1.000000000e+00, v28;
	v20 =	vpop (erf);
	v6 =	vmul.f32 $5.000000000e-01, v6;
	v18 =	vmul.f32 $5.000000000e-01, v10  }
0x4e: {  	v14 =	vmul.f32 v10, v45;
	v10 =	vmul.f32 v20, v10;
	v20 =	vadd.f32 v63, v51  }
0x4f: {  	v49 =	vld [tilespmem:s6+$0x1E20];
	v3 =	vsel vm0, v32, v3;
	v38 =	vsub.f32 v7, v5;
	v5 =	vadd.f32 v5, v7  }
0x50: {  	v39 =	vld [tilespmem:s6+$0x1930];
	v3 =	vsel vm15, v1, v3;
	v41 =	vsub.f32 v8, v6;
	v6 =	vadd.f32 v6, v8  }
0x51: {  	v16 =	vld [tilespmem:s6+$0x1910];
	v12 =	vadd.f32 v18, v35;
	v10 =	vmul.f32 $5.000000000e-01, v10;
	v13 =	vmax.f32 v38, $0.0e+00  }
0x52: {  	v5 =	vmax.f32 v5, $0.0e+00;
	v7 =	vmin.f32 v13, $1.024000000e+03;
	v42 =	vmax.f32 v41, $0.0e+00  }
0x53: {  	v5 =	vmin.f32 v5, $1.024000000e+03;
	v6 =	vmax.f32 v6, $0.0e+00;
	v13 =	vadd.f32 $1.000000000e+00, v44  }
0x54: {  	v12 =	vadd.f32 v12, v14;
	v14 =	vmul.f32 $1.442695020e+00, v49;
	v41 =	vmul.f32 $5.000000000e-01, v37  }
0x55: {  	v44 =	vmul.f32 v37, v39;
	v8 =	vmin.f32 v42, $1.024000000e+03;
	v6 =	vmin.f32 v6, $1.024000000e+03  }
0x56: {  	v47 =	vpop (erf);
	v46 =	vsub.f32 v5, v7;
	v19 =	vmul.f32 $5.000000000e-01, v13;
	v16 =	vmul.f32 v13, v16  }
0x57: {  	v53 =	vld [tilespmem:s6+$0x520];
	v17 =	vsub.f32 v6, v8;
	v13 =	vmul.f32 v47, v13;
	(erf) = vpow2.f32 v14  }
0x58: {  	v55 =	vld [tilespmem:s6+$0xF20];
	v52 =	vsub.f32 v12, v10;
	(erf) = vpow2.f32 v56;
	v9 =	vadd.f32 v19, v36  }
0x59: {  	[tilespmem:s6+$0x0] =	vst v7;
	v10 =	vadd.f32 v10, v12;
	v7 =	vadd.f32 v41, v62;
	(erf) = vpow2.f32 v21  }
0x5a: {  	v13 =	vmul.f32 $5.000000000e-01, v13;
	(erf) = vpow2.f32 v25;
	v9 =	vadd.f32 v9, v16  }
0x5b: {  	v20 =	vadd.f32 v20, v23;
	v15 =	vmax.f32 v46, $0.0e+00;
	v17 =	vmax.f32 v17, $0.0e+00  }
0x5c: {  	v27 =	vld [tilespmem:s6+$0x1920];
	v10 =	vmax.f32 v10, $0.0e+00;
	v7 =	vadd.f32 v7, v44;
	v54 =	vsub.f32 v9, v13  }
0x5d: {  	v59 =	vld [tilespmem:s6+$0x30];
	v16 =	vmax.f32 v52, $0.0e+00;
	v9 =	vadd.f32 v13, v9;
	v13 =	vsub.f32 v55, v53  }
0x5e: {  	v61 =	vld [tilespmem:s6+$0xA30];
	v15 =	vmul.f32 v17, v15;
	v10 =	vmin.f32 v10, $1.024000000e+03;
	v16 =	vmin.f32 v16, $1.024000000e+03  }
0x5f: {  	v17 =	vmax.f32 v54, $0.0e+00;
	v9 =	vmax.f32 v9, $0.0e+00;
	v13 =	vadd.f32 $1.000000000e+00, v13  }
0x60: {  	v24 =	vsub.f32 v10, v16;
	v17 =	vmin.f32 v17, $1.024000000e+03;
	v9 =	vmin.f32 v9, $1.024000000e+03;
	v34 =	vpop (erf)  }
0x61: {  	s30 =	sadd.s32 $0x20, s5;
	v26 =	vsub.f32 v9, v17;
	v33 =	vmul.f32 $5.000000000e-01, v13;
	v22 =	vmul.f32 v34, v22;
	v36 =	vpop (erf)  }
0x62: {  	s7 =	scvt.s32.f32 s30;
	v35 =	vld [tilespmem:s6+$0x1430];
	v58 =	vmax.f32 v24, $0.0e+00;
	v27 =	vmul.f32 v13, v27;
	v13 =	vmul.f32 v36, v13;
	v43 =	vpop (erf)  }
0x63: {  	v60 =	vmax.f32 v26, $0.0e+00;
	v26 =	vsub.f32 v61, v59;
	v12 =	vadd.f32 v33, v53;
	v45 =	vpop (erf)  }
0x64: {  	[tilespmem:s6+$0xA00] =	vst v5;
	v22 =	vmul.f32 $5.000000000e-01, v22;
	v61 =	vadd.f32 s7, v0;
	v5 =	vmul.f32 v45, v37  }
0x65: {  	v11 =	vmul.f32 v60, v58;
	v13 =	vmul.f32 $5.000000000e-01, v13;
	v26 =	vadd.f32 $1.000000000e+00, v26  }
0x66: {  	v12 =	vadd.f32 v12, v27;
	v40 =	vsub.f32 v20, v22;
	v5 =	vmul.f32 $5.000000000e-01, v5  }
0x67: {  	v20 =	vadd.f32 v22, v20;
	v38 =	vmul.f32 $5.000000000e-01, v26;
	v24 =	vmul.f32 v26, v35  }
0x68: {  	[tilespmem:s6+$0x500] =	vst v8;
	v42 =	vsub.f32 v12, v13;
	v12 =	vadd.f32 v13, v12;
	v46 =	vmax.f32 v40, $0.0e+00  }
0x69: {  	[tilespmem:s6+$0xF00] =	vst v6;
	v13 =	vmul.f32 v43, v26;
	v48 =	vmax.f32 v20, $0.0e+00;
	v6 =	vmin.f32 v46, $1.024000000e+03  }
0x6a: {  	[tilespmem:s6+$0xA10] =	vst v10;
	v49 =	vmin.f32 v48, $1.024000000e+03;
	v55 =	vsub.f32 v7, v5;
	v5 =	vadd.f32 v5, v7  }
0x6b: {  	[tilespmem:s6+$0x2800] =	vst v15;
	v14 =	vadd.f32 v38, v59;
	v47 =	vmax.f32 v42, $0.0e+00;
	v12 =	vmax.f32 v12, $0.0e+00  }
0x6c: {  	[tilespmem:s6+$0x10] =	vst v16;
	v7 =	vld [tilespmem:s6+$0x2D20];
	v13 =	vmul.f32 $5.000000000e-01, v13;
	v51 =	vsub.f32 v49, v6;
	v50 =	vmin.f32 v47, $1.024000000e+03  }
0x6d: {  	[tilespmem:s6+$0x20] =	vst v6;
	v12 =	vmin.f32 v12, $1.024000000e+03;
	v6 =	vmax.f32 v55, $0.0e+00;
	v5 =	vmax.f32 v5, $0.0e+00  }
0x6e: {  	s31 =	sadd.s32 $0x30, s5;
	[tilespmem:s6+$0x510] =	vst v17;
	v14 =	vadd.f32 v14, v24;
	v6 =	vmin.f32 v6, $1.024000000e+03;
	v5 =	vmin.f32 v5, $1.024000000e+03  }
0x6f: {  	v1 =	vsel vm15, v32, v1;
	[tilespmem:s6+$0xF10] =	vst v9;
	s7 =	scvt.s32.f32 s31;
	v54 =	vsub.f32 v12, v50;
	v60 =	vsub.f32 v5, v6  }
0x70: {  	[tilespmem:s6+$0x2810] =	vst v11;
	v56 =	vmax.f32 v51, $0.0e+00;
	v52 =	vsub.f32 v14, v13;
	v53 =	vadd.f32 v13, v14  }
0x71: {  	v58 =	vld [tilespmem:s6+$0x2D30];
	[tilespmem:s6+$0x530] =	vst v6;
	v6 =	vadd.f32 s7, v0;
	v13 =	vmax.f32 v54, $0.0e+00;
	vm0 =	vgt.f32 v7, v2  }
0x72: {  	[tilespmem:s6+$0xA20] =	vst v49;
	vm15 =	vgt.f32 v7, v4;
	v8 =	vmax.f32 v52, $0.0e+00;
	v57 =	vmax.f32 v53, $0.0e+00  }
0x73: {  	[tilespmem:s6+$0x520] =	vst v50;
	v11 =	vmul.f32 v13, v56;
	v8 =	vmin.f32 v8, $1.024000000e+03;
	v9 =	vmin.f32 v57, $1.024000000e+03  }
0x74: {  	p0 =	sne.s32 s4, $0x1300;
	[tilespmem:s6+$0xF20] =	vst v12;
	v4 =	vsel vm15, v7, v4;
	v63 =	vmax.f32 v60, $0.0e+00;
	v59 =	vsub.f32 v9, v8  }
.Ltmp0:
0x75: {  	[tilespmem:s6+$0xF30] =	vst v5;
	v3 =	vsel vm15, v61, v3;
	v4 =	vsel vm0, v2, v4;
	v2 =	vsel vm0, v7, v2;
	(pc) =	sbr.rel @p0 .LBB2_1-.Ltmp0, $4  }
0x76: {  	v3 =	vsel vm0, v1, v3;
	[tilespmem:s6+$0x2820] =	vst v11;
	vm15 =	vgt.f32 v58, v4;
	v62 =	vmax.f32 v59, $0.0e+00  }
0x77: {  	vm1 =	vgt.f32 v58, v2;
	[tilespmem:s6+$0x30] =	vst v8;
	v4 =	vsel vm15, v58, v4;
	v7 =	vmul.f32 v63, v62  }
0x78: {  	v1 =	vsel vm0, v61, v1;
	[tilespmem:s6+$0xA30] =	vst v9;
	v3 =	vsel vm15, v6, v3;
	v4 =	vsel vm1, v2, v4  }
0x79: {  	s5 =	sadd.s32 $0x40, s5;
	s4 =	sadd.s32 $0x100, s4;
	v3 =	vsel vm1, v1, v3;
	v2 =	vsel vm1, v58, v2;
	v1 =	vsel vm1, v6, v1;
	[tilespmem:s6+$0x2830] =	vst v7  }
0x7a: {  	(xrf0) =	vmax.scan.msk.f32 $0xffff, v2;
	_ =	sdelay $0x5  }
0x7b: {  	v0, _, _ =	vpop (xrf0)  }
0x7c: {  	v0 =	vbroadcast v0, $0xF;
	_ =	sdelay $0x1  }
0x7d: {  	vm0 =	veq.f32 v2, v0  }
0x7e: {  	v5 =	vnsel vm0, $0x7F61B1E6, v1  }
0x7f: {  	(xrf0) =	vmin.scan.msk.f32 $0xffff, v5;
	_ =	sdelay $0x5  }
0x80: {  	v5, _, _ =	vpop (xrf0)  }
0x81: {  	v6 =	vbroadcast v5, $0xF;
	_ =	sdelay $0x1  }
0x82: {  	vm1 =	veq.f32 v1, v6  }
0x83: {  	vm0 =	vmand vm0, vm1  }
0x84: {  	v2 =	vsel vm0, v4, v2  }
0x85: {  	(xrf0) =	vmax.scan.msk.f32 $0xffff, v2;
	_ =	sdelay $0x5  }
0x86: {  	v4, _, _ =	vpop (xrf0)  }
0x87: {  	v4 =	vbroadcast v4, $0xF;
	_ =	sdelay $0x1  }
0x88: {  	v1 =	vsel vm0, v3, v1;
	vm0 =	veq.f32 v2, v4  }
0x89: {  	v1 =	vnsel vm0, $0x7F61B1E6, v1  }
0x8a: {  	(xrf0) =	vmin.scan.msk.f32 $0xffff, v1;
	_ =	sdelay $0x2  }
0x8b: {  	(v2sf) =	vpush v5, $0xF;
	_ =	sdelay $0x2  }
0x8c: {  	v1, _, _ =	vpop (xrf0)  }
0x8d: {  	(v2sf) =	vpush v1, $0xF;
	_ =	sdelay $0xa  }
0x8e: {  	s4 =	spop (v2sf)  }
0x8f: {  	s4 =	scvt.f32.s32 s4;
	_ =	sdelay $0x1  }
0x90: {  	s4 =	ssub.s32 s4, s1  }
0x91: {  	v2 =	vmov s4;
	s5 =	spop (v2sf)  }
0x92: {  	s31 =	scvt.f32.s32 s5;
	_ =	sdelay $0x1  }
0x93: {  	v3 =	vimm.f32 $1.500000000e+01;
	vm0 =	vcmask $0x300;
	s5 =	ssub.s32 s31, s1  }
0x94: {  	v3 =	vsel vm0, $0x0, v3;
	vm0 =	vcmask $0x704;
	s4 =	simm.s32 $0x2800;
	v5 =	vmov s5  }
0x95: {  	s6 =	simm.s32 $0xA00;
	v3 =	vsel vm0, $0x3F800000, v3;
	v7 =	vld.idx.msk [tilespmem:v2+s4+$0x0], $0xffff  }
0x96: {  	s7 =	simm.s32 $0xF00;
	v3 =	vsel vm2, $0x40000000, v3;
	v9 =	vld.idx.msk [tilespmem:v2+s6+$0x0], $0xffff  }
0x97: {  	v3 =	vsel vm9, $0x40400000, v3;
	v10 =	vld.idx.msk [tilespmem:v2+s7+$0x0], $0xffff;
	s5 =	simm.s32 $0x0  }
0x98: {  	v3 =	vsel vm10, $0x40800000, v3;
	v8 =	vld.idx.msk [tilespmem:v2+s5+$0x0], $0xffff  }
0x99: {  	s8 =	simm.s32 $0x500;
	vm0 =	vcmask $0x3F18;
	v3 =	vsel vm11, $0x40A00000, v3;
	v11 =	vld.idx.msk [tilespmem:v5+s4+$0x0], $0xffff  }
0x9a: {  	vm1 =	vcmask $0x3F14;
	v3 =	vsel vm3, $0x40C00000, v3;
	v6 =	vsel vm0, v6, v7;
	v2 =	vld.idx.msk [tilespmem:v2+s8+$0x0], $0xffff  }
0x9b: {  	v3 =	vsel vm13, $0x40E00000, v3;
	v0 =	vsel vm1, v6, v0;
	v6 =	vld.idx.msk [tilespmem:v5+s7+$0x0], $0xffff  }
0x9c: {  	vm2 =	vcmask $0x3F10;
	v1 =	vbroadcast v1, $0xF;
	v3 =	vsel vm14, $0x41000000, v3;
	v7 =	vld.idx.msk [tilespmem:v5+s6+$0x0], $0xffff  }
0x9d: {  	vm3 =	vcmask $0x3F0C;
	v3 =	vsel vm4, $0x41100000, v3;
	vm4 =	vcmask $0x3F08;
	v63 =	vld.idx.msk [tilespmem:v5+s8+$0x0], $0xffff  }
0x9e: {  	v3 =	vsel vm5, $0x41200000, v3;
	v0 =	vsel vm2, v0, v10;
	v5 =	vld.idx.msk [tilespmem:v5+s5+$0x0], $0xffff;
	v1 =	vsel vm0, v1, v11  }
0x9f: {  	v3 =	vsel vm6, $0x41300000, v3;
	v0 =	vsel vm3, v0, v9;
	v1 =	vsel vm1, v1, v4  }
0xa0: {  	v3 =	vsel vm12, $0x41400000, v3;
	v2 =	vsel vm4, v0, v2;
	v0 =	vsel vm2, v1, v6  }
0xa1: {  	s11 =	sshll.u32 s10, $0x7;
	s9 =	sadd.s32 $0x500, s1;
	p0 =	sne.s32 s10, $0x0;
	vm5 =	vmmov $0x1;
	v1 =	vsel vm7, $0x41500000, v3;
	v4 =	vsel vm3, v0, v7  }
0xa2: {  	s12 =	simm.s32 $0x1;
	s13 =	simm.s32 $0x3280;
	s14 =	simm.s32 $0x0;
	v3 =	vsel vm5, v8, v2;
	v0 =	vsel vm8, $0x41600000, v1;
	v1 =	vsel vm4, v4, v63  }
0xa3: {  	s15 =	simm.s32 $0x0;
	s10 =	sshrl.u32 s11, $0x2;
	s11 =	simm.s32 $0x3200;
	v2 =	vimm.s32 $0x0;
	v4 =	vsel vm5, v5, v1;
	v1 =	vlaneseq.u32  }
.LBB2_3:
0xa4: {  	s16 =	sshll.u32 s14, $0x9  }
0xa5: {  	s16 =	sand.u32 $0x200, s16  }
0xa6: {  	[tilespmem:$0x3200] =	vst v3;
	s16 =	sadd.s32 s16, s2  }
0xa7: {  	[tilespmem:$0x3210] =	vst v4;
	s17 =	sadd.s32 s10, s16  }
0xa8: {  	[spmem:s17] =	stream.linear.scatter [tilespmem:s11], [sflag:$0x1], $0x20, $0x38;
	[tilespmem:$0x3B40] =	vst v63  }
0xa9: {  	_ =	swait.ge [sflag:s12], $0x20  }
0xaa: {  	v3 =	vmul.u32 $0x20, v1;
	[sflag:s12] =	ssyncset.done $0x0  }
0xab: {  	[sflag:s12] =	ssyncadd.s32 $0xFFFFFFE0  }
0xac: {  	v4 =	vor.u32 $0x4, v3;
	[bflag:$0x0] =	sbarrier.arrive $0xFFFF  }
0xad: {  	[tilespmem:s13], [sflag:$0x1] =	stream.linear.gather [spmem:s16], $0x200, $0x38;
	[tilespmem:$0x3B40] =	vst v63  }
0xae: {  	_ =	swait.ge [sflag:s12], $0x200  }
0xaf: {  	[sflag:s12] =	ssyncset.done $0x0  }
0xb0: {  	[sflag:s12] =	ssyncadd.s32 $0xFFFFFE00  }
0xb1: {  	v4 =	vld.idx.msk [tilespmem:v4+s13+$0x0], $0xffff;
	_ =	sdelay $0x4  }
0xb2: {  	v5 =	vor.u32 $0x6, v3;
	(xrf0) =	vmax.scan.msk.f32 $0xffff, v4;
	_ =	sdelay $0x4  }
0xb3: {  	v5 =	vld.idx.msk [tilespmem:v5+s13+$0x0], $0xffff  }
0xb4: {  	v6, _, _ =	vpop (xrf0)  }
0xb5: {  	v6 =	vbroadcast v6, $0xF;
	_ =	sdelay $0x1  }
0xb6: {  	vm6 =	veq.f32 v4, v6  }
0xb7: {  	v6 =	vnsel vm6, $0x7F61B1E6, v5  }
0xb8: {  	(xrf0) =	vmin.scan.msk.f32 $0xffff, v6;
	_ =	sdelay $0x5  }
0xb9: {  	v6, _, _ =	vpop (xrf0)  }
0xba: {  	v7 =	vbroadcast v6, $0xF;
	_ =	sdelay $0x1  }
0xbb: {  	vm7 =	veq.f32 v5, v7  }
0xbc: {  	v7 =	vor.u32 $0x80000000, v1;
	vm6 =	vmand vm6, vm7  }
0xbd: {  	v8 =	vnsel vm6, $0x8000270F, v7  }
0xbe: {  	(xrf0) =	vmin.scan.msk.u32 $0xffff, v8;
	_ =	sdelay $0x5  }
0xbf: {  	(v2sf) =	vpush v6, $0xF;
	v6, _, _ =	vpop (xrf0)  }
0xc0: {  	(v2sf) =	vpush v6, $0xF;
	_ =	sdelay $0x8  }
0xc1: {  	v6 =	vor.u32 $0x14, v3;
	_ =	sdelay $0x4  }
0xc2: {  	s26 =	spop (v2sf);
	v6 =	vld.idx.msk [tilespmem:v6+s13+$0x0], $0xffff  }
0xc3: {  	s19 =	spop (v2sf)  }
0xc4: {  	s28 =	sxor.u32 $0x80000000, s19  }
0xc5: {  	v8 =	vmov s28  }
0xc6: {  	vm6 =	veq.s32 v8, v1  }
0xc7: {  	v3 =	vor.u32 $0x16, v3;
	v4 =	vsel vm6, v6, v4  }
0xc8: {  	(xrf0) =	vmax.scan.msk.f32 $0xffff, v4;
	_ =	sdelay $0x3  }
0xc9: {  	v3 =	vld.idx.msk [tilespmem:v3+s13+$0x0], $0xffff;
	_ =	sdelay $0x1  }
0xca: {  	v6, _, _ =	vpop (xrf0)  }
0xcb: {  	v9 =	vbroadcast v6, $0xF;
	_ =	sdelay $0x1  }
0xcc: {  	v3 =	vsel vm6, v3, v5;
	vm6 =	veq.f32 v4, v9  }
0xcd: {  	v4 =	vnsel vm6, $0x7F61B1E6, v3  }
0xce: {  	(xrf0) =	vmin.scan.msk.f32 $0xffff, v4;
	_ =	sdelay $0x5  }
0xcf: {  	v4, _, _ =	vpop (xrf0)  }
0xd0: {  	v5 =	vbroadcast v4, $0xF;
	_ =	sdelay $0x1  }
0xd1: {  	vm7 =	veq.f32 v3, v5  }
0xd2: {  	vm6 =	vmand vm6, vm7  }
0xd3: {  	v3 =	vnsel vm6, $0x8000270F, v7  }
0xd4: {  	(xrf0) =	vmin.scan.msk.u32 $0xffff, v3;
	_ =	sdelay $0x5  }
0xd5: {  	(v2sf) =	vpush v4, $0xF;
	v3, _, _ =	vpop (xrf0)  }
0xd6: {  	(v2sf) =	vpush v3, $0xF;
	_ =	sdelay $0xd  }
0xd7: {  	s18 =	sshll.u32 s19, $0x5;
	s29 =	spop (v2sf)  }
0xd8: {  	s21 =	sor.u32 $0x1, s18;
	s20 =	spop (v2sf)  }
0xd9: {  	s30 =	sor.u32 $0x2, s18;
	v3 =	vmov s21;
	p1 =	seq.s32 s20, s19;
	s19 =	simm.s32 $0x10  }
0xda: {  	s31 =	sor.u32 $0x3, s18;
	v4 =	vmov s18;
	v5 =	vbroadcast v3, $0x0;
	v3 =	vmov s30;
	s20 =	sshll.u32 s20, $0x5;
	s19 =	simm.s32 @!p1 $0x0  }
0xdb: {  	v6 =	vbroadcast v3, $0x0;
	v3 =	vmov s31;
	s19 =	sor.u32 s20, s19  }
0xdc: {  	v7 =	vbroadcast v3, $0x0;
	s20 =	sor.u32 $0x1, s19  }
0xdd: {  	s22 =	sor.u32 $0x2, s19;
	v3 =	vmov s20  }
0xde: {  	v8 =	vmov s19;
	s23 =	sor.u32 $0x3, s19;
	v11 =	vmov s22;
	v10 =	vbroadcast v3, $0x0  }
0xdf: {  	v12 =	vmov s23;
	v3 =	vld.idx.msk [tilespmem:v4+s13+$0x0], $0xffff;
	v11 =	vbroadcast v11, $0x0  }
0xe0: {  	v4 =	vld.idx.msk [tilespmem:v5+s13+$0x0], $0xffff;
	v12 =	vbroadcast v12, $0x0  }
0xe1: {  	s24 =	sor.u32 $0x5, s18;
	v5 =	vld.idx.msk [tilespmem:v6+s13+$0x0], $0xffff  }
0xe2: {  	s25 =	sor.u32 $0x5, s19;
	v6 =	vld.idx.msk [tilespmem:v7+s13+$0x0], $0xffff;
	v7 =	vmov s24  }
0xe3: {  	v7 =	vbroadcast v7, $0x0;
	v13 =	vld.idx.msk [tilespmem:v8+s13+$0x0], $0xffff;
	v8 =	vmov s25  }
0xe4: {  	v8 =	vbroadcast v8, $0x0;
	v10 =	vld.idx.msk [tilespmem:v10+s13+$0x0], $0xffff  }
0xe5: {  	v11 =	vld.idx.msk [tilespmem:v11+s13+$0x0], $0xffff  }
0xe6: {  	v12 =	vld.idx.msk [tilespmem:v12+s13+$0x0], $0xffff;
	_ =	sdelay $0x2  }
0xe7: {  	v7 =	vld.idx.msk [tilespmem:v7+s13+$0x0], $0xffff  }
0xe8: {  	v14 =	vmax.f32 v3, v13;
	v8 =	vld.idx.msk [tilespmem:v8+s13+$0x0], $0xffff  }
0xe9: {  	v15 =	vmax.f32 v4, v10;
	v16 =	vmin.f32 v5, v11;
	v17 =	vmin.f32 v6, v12  }
0xea: {  	v14 =	vsub.f32 v16, v14;
	v15 =	vsub.f32 v17, v15;
	_ =	sdelay $0x1  }
0xeb: {  	v14 =	vmax.f32 v14, $0.0e+00;
	v15 =	vmax.f32 v15, $0.0e+00  }
0xec: {  	v14 =	vmul.f32 v15, v14;
	v15 =	vadd.f32 v8, v7;
	_ =	sdelay $0x1  }
0xed: {  	v15 =	vsub.f32 v15, v14;
	_ =	sdelay $0x1  }
0xee: {  	v15 =	vadd.f32 $9.999999710e-10, v15;
	_ =	sdelay $0x1  }
0xef: {  	(erf) = vrcp.f32 v15;
	_ =	sdelay $0x8  }
0xf0: {  	v15 =	vpop (erf)  }
0xf1: {  	v14 =	vmul.f32 v15, v14;
	_ =	sdelay $0x1  }
0xf2: {  	vm6 =	vgt.f32 v14, $5.000000000e-01  }
0xf3: {  	vm7 =	vgt.f32 v9, $-1.000000000e+09;
	vm6 =	vmneg vm6  }
0xf4: {  	vm6 =	vmand vm6, vm7  }
0xf5: {  	v9 =	vsel vm6, $0x1, v2  }
0xf6: {  	v9 =	vor.u32 $0x80000000, v9  }
0xf7: {  	(xrf0) =	vmax.scan.msk.u32 $0xffff, v9;
	_ =	sdelay $0x5  }
0xf8: {  	v9, _, _ =	vpop (xrf0)  }
0xf9: {  	(v2sf) =	vpush v9, $0xF;
	_ =	sdelay $0xb  }
0xfa: {  	s17 =	scvt.f32.s32 s29  }
0xfb: {  	v9 =	vor.u32 s18, v1  }
0xfc: {  	p2 =	slt.s32 s17, s1;
	v14 =	vor.u32 s19, v1;
	s18 =	scvt.f32.s32 s26  }
0xfd: {  	p3 =	sle.s32 @!p2 s9, s17;
	s26 =	spop (v2sf)  }
0xfe: {  	p4 =	por p3, p2;
	p1 =	slt.s32 s18, s1;
	s16 =	sxor.u32 $0x80000000, s26  }
0xff: {  	p5 =	sle.s32 @!p1 s9, s18;
	p4 =	slt.s32 @!p4 s16, $0x1  }
0x100: {  	p1 =	por p5, p1;
	v9 =	vld.idx.msk [tilespmem:v9+s13+$0x0], $0xffff;
	p3 =	por @!p2 p4, p3  }
0x101: {  	v14 =	vld.idx.msk [tilespmem:v14+s13+$0x0], $0xffff;
	s18 =	ssub.s32 @!p1 s18, s1;
	p2 =	por p3, p2  }
0x102: {  	v15 =	vmov @!p1 s18;
	s17 =	ssub.s32 @!p2 s17, s1  }
0x103: {  	s18 =	sshll.u32 @!p0 s15, $0x6;
	v16 =	vmov @!p2 s17  }
0x104: {  	p3 =	slt.s32 @!p0 s16, $0x1;
	s17 =	sshra.s32 @!p0 s18, $0x2  }
0x105: {  	p3 =	por p3, p0;
	[tilespmem:s17+$0x3480] =	vst @!p0 v9  }
0x106: {  	[tilespmem:s17+$0x3490] =	vst @!p3 v14;
	v9 =	vimm.f32 @!p1 $-1.000000000e+09;
	s17 =	simm.s32 @!p1 $0x2D00  }
0x107: {  	[tilespmem:v15+s17+$0x0] =	vst.idx.msk @!p1 $0x1, v9;
	v9 =	vimm.f32 @!p2 $-1.000000000e+09;
	s17 =	simm.s32 @!p2 $0x2D00  }
0x108: {  	s28 =	simm.s32 $0x0;
	[tilespmem:v16+s17+$0x0] =	vst.idx.msk @!p2 $0x1, v9  }
0x109: {  	v14 =	vld [tilespmem:s28+$0x2830]  }
0x10a: {  	v15 =	vld [tilespmem:s28+$0x2820]  }
0x10b: {  	v16 =	vld [tilespmem:s28+$0x30]  }
0x10c: {  	v17 =	vld [tilespmem:s28+$0x530]  }
0x10d: {  	v18 =	vld [tilespmem:s28+$0xA30]  }
0x10e: {  	v19 =	vld [tilespmem:s28+$0xF30]  }
0x10f: {  	v20 =	vld [tilespmem:s28+$0x2810]  }
0x110: {  	v21 =	vld [tilespmem:s28+$0x20]  }
0x111: {  	v22 =	vld [tilespmem:s28+$0x520]  }
0x112: {  	v9 =	vnsel vm6, $0xC59C4000, v13;
	v13 =	vld [tilespmem:s28+$0xA20]  }
0x113: {  	v60 =	vimm.f32 $0.0e+00;
	v10 =	vnsel vm6, $0xC59C4000, v10;
	v11 =	vnsel vm6, $0xC57A0000, v11;
	v24 =	vld [tilespmem:s28+$0xF20]  }
0x114: {  	v12 =	vnsel vm6, $0xC57A0000, v12;
	v26 =	vld [tilespmem:s28+$0x2800];
	v23 =	vadd.f32 v14, v7;
	v14 =	vadd.f32 v14, v8  }
0x115: {  	v29 =	vld [tilespmem:s28+$0x10];
	v25 =	vadd.f32 v15, v7;
	v15 =	vadd.f32 v15, v8;
	v27 =	vmax.f32 v3, v16  }
0x116: {  	v32 =	vld [tilespmem:s28+$0x510];
	v28 =	vmax.f32 v4, v17;
	v30 =	vmin.f32 v5, v18;
	v31 =	vmin.f32 v6, v19  }
0x117: {  	v34 =	vld [tilespmem:s28+$0xA10];
	v16 =	vmax.f32 v9, v16;
	v17 =	vmax.f32 v10, v17;
	v18 =	vmin.f32 v11, v18  }
0x118: {  	v36 =	vld [tilespmem:s28+$0xF10];
	v33 =	vadd.f32 v20, v7;
	v20 =	vadd.f32 v20, v8;
	v19 =	vmin.f32 v12, v19  }
0x119: {  	v40 =	vld [tilespmem:s28+$0x0];
	v35 =	vmax.f32 v3, v21;
	v37 =	vmax.f32 v4, v22;
	v38 =	vmin.f32 v5, v13  }
0x11a: {  	v41 =	vld [tilespmem:s28+$0x500];
	v39 =	vmin.f32 v6, v24;
	v21 =	vmax.f32 v9, v21;
	v22 =	vmax.f32 v10, v22  }
0x11b: {  	v13 =	vmin.f32 v11, v13;
	v24 =	vmin.f32 v12, v24;
	v42 =	vadd.f32 v26, v7  }
0x11c: {  	v43 =	vld [tilespmem:s28+$0xA00];
	v26 =	vadd.f32 v26, v8;
	v44 =	vmax.f32 v3, v29;
	v46 =	vmax.f32 v4, v32  }
0x11d: {  	s17 =	simm.s32 $0x40;
	v45 =	vld [tilespmem:s28+$0xF00];
	v47 =	vmin.f32 v5, v34;
	v48 =	vmin.f32 v6, v36;
	v29 =	vmax.f32 v9, v29  }
0x11e: {  	v58 =	vld [tilespmem:s17+$0x520];
	v32 =	vmax.f32 v10, v32;
	v49 =	vmax.f32 v3, v40;
	v34 =	vmin.f32 v11, v34  }
0x11f: {  	v36 =	vmin.f32 v12, v36;
	v50 =	vmax.f32 v4, v41;
	v27 =	vsub.f32 v30, v27  }
0x120: {  	v52 =	vmax.f32 v9, v40;
	v28 =	vsub.f32 v31, v28;
	v16 =	vsub.f32 v18, v16  }
0x121: {  	v54 =	vmin.f32 v11, v43;
	v17 =	vsub.f32 v19, v17;
	v19 =	vsub.f32 v38, v35  }
0x122: {  	v57 =	vld [tilespmem:s17+$0xA30];
	v55 =	vmin.f32 v12, v45;
	v31 =	vsub.f32 v39, v37;
	v13 =	vsub.f32 v13, v21  }
0x123: {  	s31 =	sadd.s32 $0x10, s1;
	s22 =	sadd.s32 $0x20, s1;
	v61 =	vld [tilespmem:s17+$0xF20];
	v51 =	vmax.f32 v4, v58;
	v21 =	vsub.f32 v24, v22;
	v24 =	vsub.f32 v47, v44  }
0x124: {  	s21 =	scvt.s32.f32 s31;
	s22 =	scvt.s32.f32 s22;
	v30 =	vmin.f32 v5, v43;
	v53 =	vsub.f32 v48, v46;
	v29 =	vsub.f32 v34, v29  }
0x125: {  	v18 =	vmin.f32 v6, v45;
	v32 =	vsub.f32 v36, v32;
	v35 =	vsub.f32 v54, v52  }
0x126: {  	v22 =	vmax.f32 v10, v41;
	v36 =	vadd.f32 s21, v0;
	v37 =	vadd.f32 s22, v0  }
0x127: {  	v38 =	vimm.f32 $-3.000000010e+38;
	v44 =	vmin.f32 v5, v57;
	v30 =	vsub.f32 v30, v49  }
0x128: {  	v54 =	vmin.f32 v6, v61;
	v18 =	vsub.f32 v18, v50;
	v22 =	vsub.f32 v55, v22  }
0x129: {  	v27 =	vmax.f32 v27, $0.0e+00;
	v28 =	vmax.f32 v28, $0.0e+00;
	v16 =	vmax.f32 v16, $0.0e+00  }
0x12a: {  	v19 =	vmax.f32 v19, $0.0e+00;
	v31 =	vmax.f32 v31, $0.0e+00;
	v17 =	vmax.f32 v17, $0.0e+00  }
0x12b: {  	v24 =	vmax.f32 v24, $0.0e+00;
	v13 =	vmax.f32 v13, $0.0e+00;
	v21 =	vmax.f32 v21, $0.0e+00  }
0x12c: {  	v56 =	vmax.f32 v53, $0.0e+00;
	v29 =	vmax.f32 v29, $0.0e+00;
	v32 =	vmax.f32 v32, $0.0e+00  }
0x12d: {  	v30 =	vmax.f32 v30, $0.0e+00;
	v18 =	vmax.f32 v18, $0.0e+00;
	v27 =	vmul.f32 v28, v27  }
0x12e: {  	v28 =	vmax.f32 v35, $0.0e+00;
	v22 =	vmax.f32 v22, $0.0e+00;
	v17 =	vmul.f32 v17, v16  }
0x12f: {  	v31 =	vmul.f32 v31, v19;
	v13 =	vmul.f32 v21, v13;
	v16 =	vsub.f32 v23, v27  }
0x130: {  	v24 =	vmul.f32 v56, v24;
	v29 =	vmul.f32 v32, v29;
	v14 =	vsub.f32 v14, v17  }
0x131: {  	v23 =	vmul.f32 v18, v30;
	v18 =	vsub.f32 v25, v31;
	v16 =	vadd.f32 $9.999999710e-10, v16  }
0x132: {  	v59 =	vld [tilespmem:s17+$0xA20];
	v25 =	vmul.f32 v22, v28;
	v15 =	vsub.f32 v15, v13;
	v14 =	vadd.f32 $9.999999710e-10, v14  }
0x133: {  	v19 =	vsub.f32 v33, v24;
	v18 =	vadd.f32 $9.999999710e-10, v18;
	(erf) = vrcp.f32 v16  }
0x134: {  	v15 =	vadd.f32 $9.999999710e-10, v15;
	v16 =	vsub.f32 v20, v29;
	(erf) = vrcp.f32 v14  }
0x135: {  	v34 =	vld [tilespmem:s17+$0x20];
	v19 =	vadd.f32 $9.999999710e-10, v19;
	v20 =	vsub.f32 v42, v23;
	(erf) = vrcp.f32 v18  }
0x136: {  	v28 =	vld [tilespmem:s17+$0x2820];
	v18 =	vsub.f32 v26, v25;
	v16 =	vadd.f32 $9.999999710e-10, v16;
	(erf) = vrcp.f32 v15  }
0x137: {  	v39 =	vmin.f32 v11, v59;
	v30 =	vld [tilespmem:s17+$0x30];
	v15 =	vadd.f32 $9.999999710e-10, v20;
	(erf) = vrcp.f32 v19  }
0x138: {  	s30 =	sadd.s32 $0x30, s1;
	v41 =	vmin.f32 v12, v61;
	v21 =	vld [tilespmem:s17+$0x2830];
	v18 =	vadd.f32 $9.999999710e-10, v18;
	(erf) = vrcp.f32 v16  }
0x139: {  	s29 =	scvt.s32.f32 s1;
	s20 =	scvt.s32.f32 s30;
	v51 =	vsub.f32 v54, v51;
	v53 =	vmin.f32 v5, v59;
	v14 =	vld [tilespmem:s17+$0x530];
	(erf) = vrcp.f32 v15  }
0x13a: {  	v32 =	vmin.f32 v11, v57;
	v35 =	vmax.f32 v10, v58;
	v26 =	vld [tilespmem:s17+$0xF30];
	(erf) = vrcp.f32 v18  }
0x13b: {  	v33 =	vadd.f32 s29, v0;
	v22 =	vadd.f32 s20, v0;
	v50 =	vmax.f32 v3, v34;
	v20 =	vld [tilespmem:s17+$0x2810]  }
0x13c: {  	v42 =	vmax.f32 v3, v30;
	v15 =	vadd.f32 v28, v8;
	v18 =	vadd.f32 v28, v7;
	v28 =	vpop (erf)  }
0x13d: {  	v50 =	vsub.f32 v53, v50;
	v30 =	vmax.f32 v9, v30;
	v42 =	vsub.f32 v44, v42;
	v62 =	vpop (erf)  }
0x13e: {  	v55 =	vsub.f32 v32, v30;
	v43 =	vmax.f32 v4, v14;
	v47 =	vmax.f32 v10, v14;
	v14 =	vpop (erf)  }
0x13f: {  	v34 =	vmax.f32 v9, v34;
	v19 =	vadd.f32 v21, v7;
	v16 =	vadd.f32 v21, v8;
	v63 =	vpop (erf)  }
0x140: {  	v46 =	vmin.f32 v6, v26;
	v26 =	vmin.f32 v12, v26;
	v21 =	vadd.f32 v20, v7;
	v52 =	vpop (erf)  }
0x141: {  	v20 =	vadd.f32 v20, v8;
	v43 =	vsub.f32 v46, v43;
	v27 =	vmul.f32 v28, v27;
	v28 =	vpop (erf)  }
0x142: {  	v47 =	vsub.f32 v26, v47;
	v26 =	vsub.f32 v41, v35;
	v17 =	vmul.f32 v62, v17;
	v58 =	vpop (erf)  }
0x143: {  	v35 =	vmax.f32 v55, $0.0e+00;
	v14 =	vmul.f32 v14, v31;
	v31 =	vld [tilespmem:s28+$0x2D00];
	v28 =	vmul.f32 v28, v29;
	v59 =	vpop (erf)  }
0x144: {  	vm9 =	vgt.f32 v27, $5.000000000e-01;
	v29 =	vld [tilespmem:s28+$0x2D10];
	v45 =	vmul.f32 v58, v23;
	v25 =	vmul.f32 v59, v25  }
0x145: {  	v57 =	vld [tilespmem:s17+$0x2800];
	v13 =	vmul.f32 v63, v13;
	vm10 =	vgt.f32 v17, $5.000000000e-01;
	v24 =	vmul.f32 v52, v24  }
0x146: {  	vm6 =	vgt.f32 v14, $5.000000000e-01;
	v14 =	vld [tilespmem:s28+$0x2D20];
	vm7 =	vgt.f32 v45, $5.000000000e-01;
	vm8 =	vgt.f32 v25, $5.000000000e-01  }
0x147: {  	vm14 =	vgt.f32 v24, $5.000000000e-01;
	v24 =	vld [tilespmem:s28+$0x2D30];
	vm11 =	vgt.f32 v28, $5.000000000e-01;
	vm7 =	vmor vm7, vm8  }
0x148: {  	vm9 =	vmor vm9, vm10;
	vm8 =	vmor vm14, vm11;
	v17 =	vsel vm7, $0xCE6E6B28, v31  }
0x149: {  	vm7 =	vgt.f32 v13, $5.000000000e-01;
	v13 =	vsel vm8, $0xCE6E6B28, v29;
	vm15 =	vgt.f32 v17, v38;
	[tilespmem:s28+$0x2D00] =	vst v17  }
0x14a: {  	v23 =	vadd.f32 v57, v7;
	vm6 =	vmor vm6, vm7;
	[tilespmem:s28+$0x2D10] =	vst v13;
	v17 =	vsel vm15, v17, v38  }
0x14b: {  	v25 =	vsel vm15, v33, v60;
	v14 =	vsel vm6, $0xCE6E6B28, v14;
	v29 =	vld [tilespmem:s17+$0x10];
	v27 =	vsel vm15, v38, v17  }
0x14c: {  	v28 =	vsel vm15, v60, v25;
	vm6 =	vgt.f32 v13, v17;
	[tilespmem:s28+$0x2D20] =	vst v14;
	v60 =	vsel vm9, $0xCE6E6B28, v24  }
0x14d: {  	v24 =	vadd.f32 v57, v8;
	v38 =	vmax.f32 v42, $0.0e+00;
	vm7 =	vgt.f32 v13, v27;
	v31 =	vld [tilespmem:s17+$0x510]  }
0x14e: {  	v61 =	vld [tilespmem:s17+$0xA10];
	[tilespmem:s28+$0x2D30] =	vst v60;
	v27 =	vsel vm7, v13, v27;
	v28 =	vsel vm7, v36, v28;
	v13 =	vsel vm6, v13, v17  }
0x14f: {  	v62 =	vld [tilespmem:s17+$0x500];
	v27 =	vsel vm6, v17, v27;
	v28 =	vsel vm6, v25, v28;
	v25 =	vsel vm6, v36, v25  }
0x150: {  	v45 =	vld [tilespmem:s17+$0xA00];
	vm7 =	vgt.f32 v14, v13;
	vm6 =	vgt.f32 v14, v27;
	v40 =	vmax.f32 v3, v29  }
0x151: {  	v29 =	vmax.f32 v9, v29;
	v17 =	vsel vm6, v14, v27;
	v27 =	vsel vm6, v37, v28  }
0x152: {  	v37 =	vsel vm7, v37, v25;
	v14 =	vsel vm7, v14, v13;
	v17 =	vsel vm7, v13, v17  }
0x153: {  	v33 =	vld [tilespmem:s17+$0xF00];
	v27 =	vsel vm7, v25, v27;
	vm6 =	vgt.f32 v60, v14;
	v48 =	vmin.f32 v5, v61  }
0x154: {  	v28 =	vld [tilespmem:s17+$0xF10];
	v36 =	vmin.f32 v11, v61;
	vm7 =	vgt.f32 v60, v17;
	v59 =	vmax.f32 v4, v62  }
0x155: {  	v30 =	vmin.f32 v5, v45;
	v62 =	vmax.f32 v10, v62;
	v13 =	vsel vm7, v60, v17  }
0x156: {  	v25 =	vld [tilespmem:s17+$0x0];
	v27 =	vsel vm7, v22, v27;
	v22 =	vsel vm6, v22, v37;
	v17 =	vsel vm6, v14, v13  }
0x157: {  	v13 =	vsel vm6, v37, v27;
	v14 =	vsel vm6, v60, v14;
	v27 =	vmax.f32 v4, v31  }
0x158: {  	v31 =	vmax.f32 v10, v31;
	v60 =	vmin.f32 v6, v33;
	v33 =	vmin.f32 v12, v33  }
0x159: {  	v37 =	vmax.f32 v51, $0.0e+00;
	v63 =	vmin.f32 v6, v28;
	v58 =	vmin.f32 v12, v28  }
0x15a: {  	v28 =	vsub.f32 v36, v29;
	v33 =	vsub.f32 v33, v62;
	v36 =	vmax.f32 v50, $0.0e+00  }
0x15b: {  	v57 =	vmax.f32 v3, v25;
	v61 =	vmax.f32 v9, v25;
	v25 =	vsub.f32 v39, v34  }
0x15c: {  	v34 =	vsub.f32 v48, v40;
	v27 =	vsub.f32 v63, v27;
	v63 =	vmin.f32 v11, v45  }
0x15d: {  	v29 =	vsub.f32 v58, v31;
	v31 =	vsub.f32 v60, v59;
	v39 =	vmax.f32 v43, $0.0e+00  }
0x15e: {  	s19 =	simm.s32 $0x200;
	s18 =	smov.u32 s1;
	v40 =	vmax.f32 v47, $0.0e+00;
	v30 =	vsub.f32 v30, v57;
	v32 =	vsub.f32 v63, v61  }
.LBB2_4:
0x15f: {  	p1 =	sne.s32 s19, $0x1300;
	v34 =	vmax.f32 v34, $0.0e+00;
	v25 =	vmax.f32 v25, $0.0e+00;
	v26 =	vmax.f32 v26, $0.0e+00  }
0x160: {  	v27 =	vmax.f32 v27, $0.0e+00;
	v28 =	vmax.f32 v28, $0.0e+00;
	v29 =	vmax.f32 v29, $0.0e+00  }
0x161: {  	v30 =	vmax.f32 v30, $0.0e+00;
	v31 =	vmax.f32 v31, $0.0e+00;
	v39 =	vmul.f32 v39, v38  }
0x162: {  	v32 =	vmax.f32 v32, $0.0e+00;
	v33 =	vmax.f32 v33, $0.0e+00;
	v40 =	vmul.f32 v40, v35  }
0x163: {  	v41 =	vmul.f32 v37, v36;
	v42 =	vmul.f32 v26, v25;
	v19 =	vsub.f32 v19, v39  }
0x164: {  	s20 =	sshra.s32 s19, $0x2;
	v43 =	vmul.f32 v27, v34;
	v44 =	vmul.f32 v29, v28;
	v16 =	vsub.f32 v16, v40  }
0x165: {  	v45 =	vmul.f32 v31, v30;
	v18 =	vsub.f32 v18, v41;
	v19 =	vadd.f32 $9.999999710e-10, v19;
	v26 =	vld [tilespmem:s20+$0x2830]  }
0x166: {  	v46 =	vmul.f32 v33, v32;
	v15 =	vsub.f32 v15, v42;
	v16 =	vadd.f32 $9.999999710e-10, v16;
	v27 =	vld [tilespmem:s20+$0x2820]  }
0x167: {  	v21 =	vsub.f32 v21, v43;
	v18 =	vadd.f32 $9.999999710e-10, v18;
	v30 =	vld [tilespmem:s20+$0x30];
	(erf) = vrcp.f32 v19  }
0x168: {  	s18 =	sadd.s32 $0x40, s18;
	v15 =	vadd.f32 $9.999999710e-10, v15;
	v19 =	vsub.f32 v20, v44;
	v31 =	vld [tilespmem:s20+$0x530];
	(erf) = vrcp.f32 v16  }
0x169: {  	s21 =	scvt.s32.f32 s18;
	s22 =	sadd.s32 $0x30, s18;
	v21 =	vadd.f32 $9.999999710e-10, v21;
	v16 =	vsub.f32 v23, v45;
	v20 =	vld [tilespmem:s20+$0xA30];
	(erf) = vrcp.f32 v18  }
0x16a: {  	s23 =	sadd.s32 $0x10, s18;
	s24 =	sadd.s32 $0x20, s18;
	s22 =	scvt.s32.f32 s22;
	v18 =	vsub.f32 v24, v46;
	v19 =	vadd.f32 $9.999999710e-10, v19;
	v23 =	vld [tilespmem:s20+$0xF30];
	(erf) = vrcp.f32 v15  }
0x16b: {  	v47 =	vadd.f32 s21, v0;
	s21 =	scvt.s32.f32 s23;
	s23 =	scvt.s32.f32 s24;
	v15 =	vadd.f32 $9.999999710e-10, v16;
	v24 =	vld [tilespmem:s20+$0x2810];
	(erf) = vrcp.f32 v21  }
0x16c: {  	v25 =	vadd.f32 s22, v0;
	v18 =	vadd.f32 $9.999999710e-10, v18;
	v37 =	vld [tilespmem:s20+$0x20];
	(erf) = vrcp.f32 v19  }
0x16d: {  	v48 =	vadd.f32 s21, v0;
	v49 =	vadd.f32 s23, v0;
	v38 =	vld [tilespmem:s20+$0x520];
	(erf) = vrcp.f32 v15  }
0x16e: {  	v16 =	vadd.f32 v26, v8;
	v19 =	vadd.f32 v26, v7;
	v50 =	vld [tilespmem:s20+$0xA20];
	(erf) = vrcp.f32 v18  }
0x16f: {  	v26 =	vmax.f32 v3, v30;
	v15 =	vadd.f32 v27, v8;
	v18 =	vadd.f32 v27, v7;
	v51 =	vld [tilespmem:s20+$0xF20]  }
0x170: {  	v27 =	vmax.f32 v4, v31;
	v28 =	vmin.f32 v5, v20;
	v29 =	vmin.f32 v6, v23;
	v52 =	vpop (erf)  }
0x171: {  	v30 =	vmax.f32 v9, v30;
	v31 =	vmax.f32 v10, v31;
	v32 =	vmin.f32 v11, v20;
	v53 =	vpop (erf)  }
0x172: {  	v35 =	vmin.f32 v12, v23;
	v21 =	vadd.f32 v24, v7;
	v20 =	vadd.f32 v24, v8;
	v54 =	vld [tilespmem:s20+$0x2800];
	v23 =	vpop (erf)  }
0x173: {  	v33 =	vmax.f32 v3, v37;
	v34 =	vmax.f32 v4, v38;
	v36 =	vmin.f32 v5, v50;
	v24 =	vpop (erf)  }
0x174: {  	v37 =	vmax.f32 v9, v37;
	v38 =	vmax.f32 v10, v38;
	v55 =	vmin.f32 v6, v51;
	v56 =	vpop (erf)  }
0x175: {  	v39 =	vmul.f32 v52, v39;
	v40 =	vmul.f32 v53, v40;
	v50 =	vmin.f32 v11, v50;
	v52 =	vpop (erf)  }
0x176: {  	v41 =	vmul.f32 v23, v41;
	v51 =	vmin.f32 v12, v51;
	v42 =	vmul.f32 v24, v42;
	v53 =	vpop (erf)  }
0x177: {  	v43 =	vmul.f32 v56, v43;
	v44 =	vmul.f32 v52, v44;
	v23 =	vadd.f32 v54, v7;
	v57 =	vld [tilespmem:s17+$0x2D00];
	v52 =	vpop (erf)  }
0x178: {  	v24 =	vadd.f32 v54, v8;
	v45 =	vmul.f32 v53, v45;
	v46 =	vmul.f32 v52, v46;
	v52 =	vld [tilespmem:s17+$0x2D10]  }
0x179: {  	vm6 =	vgt.f32 v39, $5.000000000e-01;
	vm8 =	vgt.f32 v40, $5.000000000e-01;
	vm7 =	vgt.f32 v41, $5.000000000e-01  }
0x17a: {  	vm11 =	vgt.f32 v42, $5.000000000e-01;
	vm9 =	vgt.f32 v45, $5.000000000e-01;
	vm10 =	vgt.f32 v46, $5.000000000e-01  }
0x17b: {  	vm12 =	vgt.f32 v44, $5.000000000e-01;
	vm9 =	vmor vm9, vm10;
	vm10 =	vgt.f32 v43, $5.000000000e-01;
	v39 =	vld [tilespmem:s17+$0x2D20]  }
0x17c: {  	vm6 =	vmor vm6, vm8;
	v40 =	vsel vm9, $0xCE6E6B28, v57;
	vm9 =	vmor vm10, vm12  }
0x17d: {  	vm7 =	vmor vm7, vm11;
	[tilespmem:s17+$0x2D00] =	vst v40;
	vm8 =	vgt.f32 v40, v17;
	v41 =	vsel vm9, $0xCE6E6B28, v52  }
0x17e: {  	vm9 =	vgt.f32 v40, v14;
	v17 =	vsel vm8, v40, v17;
	v13 =	vsel vm8, v47, v13;
	[tilespmem:s17+$0x2D10] =	vst v41;
	v42 =	vld [tilespmem:s17+$0x2D30]  }
0x17f: {  	v17 =	vsel vm9, v14, v17;
	v13 =	vsel vm9, v22, v13;
	v22 =	vsel vm9, v47, v22  }
0x180: {  	v14 =	vsel vm9, v40, v14;
	vm8 =	vgt.f32 v41, v17;
	v39 =	vsel vm7, $0xCE6E6B28, v39  }
0x181: {  	vm7 =	vgt.f32 v41, v14;
	v40 =	vld [tilespmem:s20+$0x10];
	v17 =	vsel vm8, v41, v17;
	v13 =	vsel vm8, v48, v13;
	[tilespmem:s17+$0x2D20] =	vst v39  }
0x182: {  	v17 =	vsel vm7, v14, v17;
	v13 =	vsel vm7, v22, v13;
	v22 =	vsel vm7, v48, v22  }
0x183: {  	v14 =	vsel vm7, v41, v14;
	v43 =	vld [tilespmem:s20+$0x510];
	vm7 =	vgt.f32 v39, v17;
	v41 =	vsel vm6, $0xCE6E6B28, v42  }
0x184: {  	vm6 =	vgt.f32 v39, v14;
	v42 =	vld [tilespmem:s20+$0xA10];
	v17 =	vsel vm7, v39, v17;
	v13 =	vsel vm7, v49, v13;
	[tilespmem:s17+$0x2D30] =	vst v41;
	s17 =	smov.u32 s20  }
0x185: {  	v44 =	vld [tilespmem:s17+$0xF10];
	v17 =	vsel vm6, v14, v17;
	v13 =	vsel vm6, v22, v13;
	v22 =	vsel vm6, v49, v22  }
0x186: {  	v14 =	vsel vm6, v39, v14;
	v45 =	vld [tilespmem:s17+$0x0];
	v46 =	vmax.f32 v3, v40;
	vm6 =	vgt.f32 v41, v17  }
0x187: {  	vm7 =	vgt.f32 v41, v14;
	v39 =	vld [tilespmem:s17+$0x500];
	v17 =	vsel vm6, v41, v17;
	v13 =	vsel vm6, v25, v13  }
0x188: {  	v47 =	vld [tilespmem:s17+$0xA00];
	v17 =	vsel vm7, v14, v17;
	v13 =	vsel vm7, v22, v13;
	v14 =	vsel vm7, v41, v14  }
0x189: {  	v48 =	vmax.f32 v4, v43;
	v22 =	vsel vm7, v25, v22;
	v41 =	vld [tilespmem:s17+$0xF00];
	v49 =	vmin.f32 v5, v42  }
0x18a: {  	v40 =	vmax.f32 v9, v40;
	v43 =	vmax.f32 v10, v43;
	v52 =	vmin.f32 v6, v44  }
0x18b: {  	v42 =	vmin.f32 v11, v42;
	v44 =	vmin.f32 v12, v44;
	v53 =	vmax.f32 v3, v45  }
0x18c: {  	v56 =	vsub.f32 v28, v26;
	v57 =	vsub.f32 v29, v27;
	v54 =	vmax.f32 v4, v39  }
0x18d: {  	v59 =	vsub.f32 v32, v30;
	v60 =	vsub.f32 v35, v31;
	v58 =	vmin.f32 v5, v47  }
0x18e: {  	v36 =	vsub.f32 v36, v33;
	v55 =	vsub.f32 v55, v34;
	v31 =	vmin.f32 v6, v41  }
0x18f: {  	v26 =	vsub.f32 v51, v38;
	v25 =	vsub.f32 v50, v37;
	v32 =	vmax.f32 v9, v45  }
0x190: {  	v34 =	vsub.f32 v49, v46;
	v27 =	vsub.f32 v52, v48;
	v33 =	vmax.f32 v10, v39  }
.Ltmp1:
0x191: {  	v28 =	vsub.f32 v42, v40;
	v29 =	vsub.f32 v44, v43;
	v35 =	vmin.f32 v11, v47;
	(pc) =	sbr.rel @p1 .LBB2_4-.Ltmp1, $4  }
0x192: {  	v30 =	vsub.f32 v58, v53;
	v37 =	vmin.f32 v12, v41;
	v31 =	vsub.f32 v31, v54  }
0x193: {  	v32 =	vsub.f32 v35, v32;
	v33 =	vsub.f32 v37, v33  }
0x194: {  	v38 =	vmax.f32 v56, $0.0e+00;
	v39 =	vmax.f32 v57, $0.0e+00;
	v35 =	vmax.f32 v59, $0.0e+00  }
0x195: {  	s19 =	sadd.s32 $0x100, s19;
	v36 =	vmax.f32 v36, $0.0e+00;
	v40 =	vmax.f32 v60, $0.0e+00;
	v37 =	vmax.f32 v55, $0.0e+00  }
0x196: {  	v3 =	vmax.f32 v34, $0.0e+00;
	v4 =	vmax.f32 v25, $0.0e+00;
	v5 =	vmax.f32 v26, $0.0e+00  }
0x197: {  	v6 =	vmax.f32 v27, $0.0e+00;
	v7 =	vmax.f32 v28, $0.0e+00;
	v8 =	vmax.f32 v29, $0.0e+00  }
0x198: {  	v9 =	vmax.f32 v30, $0.0e+00;
	v10 =	vmax.f32 v31, $0.0e+00;
	v11 =	vmul.f32 v39, v38  }
0x199: {  	v12 =	vmax.f32 v32, $0.0e+00;
	v61 =	vmax.f32 v33, $0.0e+00;
	v62 =	vmul.f32 v40, v35  }
0x19a: {  	v63 =	vmul.f32 v37, v36;
	v4 =	vmul.f32 v5, v4;
	v5 =	vsub.f32 v19, v11  }
0x19b: {  	v3 =	vmul.f32 v6, v3;
	v6 =	vmul.f32 v8, v7;
	v7 =	vsub.f32 v16, v62  }
0x19c: {  	v29 =	vmul.f32 v10, v9;
	v30 =	vsub.f32 v18, v63;
	v5 =	vadd.f32 $9.999999710e-10, v5  }
0x19d: {  	v31 =	vmul.f32 v61, v12;
	v32 =	vsub.f32 v15, v4;
	v7 =	vadd.f32 $9.999999710e-10, v7  }
0x19e: {  	v33 =	vsub.f32 v21, v3;
	v9 =	vadd.f32 $9.999999710e-10, v30;
	(erf) = vrcp.f32 v5  }
0x19f: {  	v12 =	vadd.f32 $9.999999710e-10, v32;
	v5 =	vsub.f32 v20, v6;
	(erf) = vrcp.f32 v7  }
0x1a0: {  	v15 =	vadd.f32 $9.999999710e-10, v33;
	v7 =	vsub.f32 v23, v29;
	(erf) = vrcp.f32 v9  }
0x1a1: {  	v34 =	vsub.f32 v24, v31;
	v5 =	vadd.f32 $9.999999710e-10, v5;
	(erf) = vrcp.f32 v12  }
0x1a2: {  	v7 =	vadd.f32 $9.999999710e-10, v7;
	(erf) = vrcp.f32 v15  }
0x1a3: {  	v9 =	vadd.f32 $9.999999710e-10, v34;
	(erf) = vrcp.f32 v5  }
0x1a4: {  	(erf) = vrcp.f32 v7  }
0x1a5: {  	(erf) = vrcp.f32 v9;
	_ =	sdelay $0x1  }
0x1a6: {  	v5 =	vpop (erf)  }
0x1a7: {  	v7 =	vpop (erf)  }
0x1a8: {  	v35 =	vpop (erf)  }
0x1a9: {  	v12 =	vpop (erf)  }
0x1aa: {  	v15 =	vpop (erf)  }
0x1ab: {  	v36 =	vpop (erf)  }
0x1ac: {  	v37 =	vpop (erf)  }
0x1ad: {  	v38 =	vld [tilespmem:s17+$0x2D00];
	v5 =	vmul.f32 v5, v11;
	v39 =	vpop (erf)  }
0x1ae: {  	v40 =	vld [tilespmem:s17+$0x2D10];
	v8 =	vmul.f32 v37, v29;
	v10 =	vmul.f32 v39, v31  }
0x1af: {  	v3 =	vmul.f32 v15, v3;
	v6 =	vmul.f32 v36, v6  }
0x1b0: {  	v9 =	vmul.f32 v35, v63;
	vm6 =	vgt.f32 v8, $5.000000000e-01;
	vm7 =	vgt.f32 v10, $5.000000000e-01  }
0x1b1: {  	vm8 =	vgt.f32 v6, $5.000000000e-01;
	vm6 =	vmor vm6, vm7;
	vm7 =	vgt.f32 v3, $5.000000000e-01;
	v3 =	vld [tilespmem:s17+$0x2D20]  }
0x1b2: {  	v4 =	vmul.f32 v12, v4;
	v6 =	vsel vm6, $0xCE6E6B28, v38;
	vm6 =	vmor vm7, vm8  }
0x1b3: {  	v42 =	vld [tilespmem:s17+$0x2D30];
	v7 =	vmul.f32 v7, v62;
	v41 =	vsel vm6, $0xCE6E6B28, v40;
	vm6 =	vgt.f32 v6, v14  }
0x1b4: {  	vm14 =	vgt.f32 v4, $5.000000000e-01;
	vm7 =	vgt.f32 v9, $5.000000000e-01;
	v4 =	vsel vm6, v6, v14  }
0x1b5: {  	vm9 =	vgt.f32 v5, $5.000000000e-01;
	vm8 =	vmor vm7, vm14;
	vm7 =	vgt.f32 v41, v4  }
0x1b6: {  	vm10 =	vgt.f32 v7, $5.000000000e-01;
	v3 =	vsel vm8, $0xCE6E6B28, v3;
	v5 =	vsel vm7, v41, v4  }
0x1b7: {  	vm15 =	vmor vm9, vm10;
	vm9 =	vgt.f32 v3, v5  }
0x1b8: {  	v7 =	vsel vm15, $0xCE6E6B28, v42;
	v43 =	vsel vm9, v3, v5  }
0x1b9: {  	vm8 =	vgt.f32 v7, v43  }
0x1ba: {  	v10 =	vsel vm8, v7, v43  }
0x1bb: {  	(xrf0) =	vmax.scan.msk.f32 $0xffff, v10  }
0x1bc: {  	s18 =	sadd.s32 $0x40, s18  }
0x1bd: {  	s19 =	scvt.s32.f32 s18;
	s20 =	sadd.s32 $0x10, s18  }
0x1be: {  	s21 =	sadd.s32 $0x20, s18;
	s20 =	scvt.s32.f32 s20  }
0x1bf: {  	s18 =	sadd.s32 $0x30, s18;
	s28 =	scvt.s32.f32 s21;
	v44 =	vadd.f32 s19, v0  }
0x1c0: {  	s18 =	scvt.s32.f32 s18;
	v45 =	vadd.f32 s20, v0  }
0x1c1: {  	v46 =	vadd.f32 s28, v0;
	v47 =	vsel vm6, v44, v22;
	v48, _, _ =	vpop (xrf0)  }
0x1c2: {  	v49 =	vadd.f32 s18, v0;
	v50 =	vsel vm7, v45, v47;
	v18 =	vbroadcast v48, $0xF  }
0x1c3: {  	v51 =	vsel vm9, v46, v50  }
0x1c4: {  	v52 =	vsel vm8, v49, v51;
	vm10 =	veq.f32 v10, v18  }
0x1c5: {  	vm11 =	vgt.f32 v6, v17;
	v53 =	vnsel vm10, $0x7F61B1E6, v52  }
0x1c6: {  	[tilespmem:s17+$0x2D00] =	vst v6;
	v6 =	vsel vm11, v6, v17;
	(xrf0) =	vmin.scan.msk.f32 $0xffff, v53  }
0x1c7: {  	v6 =	vsel vm6, v14, v6  }
0x1c8: {  	vm12 =	vgt.f32 v41, v6  }
0x1c9: {  	v6 =	vsel vm12, v41, v6  }
0x1ca: {  	v4 =	vsel vm7, v4, v6  }
0x1cb: {  	vm13 =	vgt.f32 v3, v4  }
0x1cc: {  	v4 =	vsel vm13, v3, v4;
	v6, _, _ =	vpop (xrf0)  }
0x1cd: {  	v4 =	vsel vm9, v5, v4;
	v5 =	vbroadcast v6, $0xF  }
0x1ce: {  	vm14 =	vgt.f32 v7, v4  }
0x1cf: {  	v4 =	vsel vm14, v7, v4;
	vm15 =	veq.f32 v52, v5  }
0x1d0: {  	v4 =	vsel vm8, v43, v4;
	vm10 =	vmand vm10, vm15  }
0x1d1: {  	v4 =	vsel vm10, v4, v10  }
0x1d2: {  	(xrf0) =	vmax.scan.msk.f32 $0xffff, v4  }
0x1d3: {  	v54 =	vsel vm11, v44, v13  }
0x1d4: {  	v8 =	vsel vm6, v22, v54  }
0x1d5: {  	v8 =	vsel vm12, v45, v8  }
0x1d6: {  	v8 =	vsel vm7, v47, v8  }
0x1d7: {  	v8 =	vsel vm13, v46, v8  }
0x1d8: {  	v8 =	vsel vm9, v50, v8;
	v55, _, _ =	vpop (xrf0)  }
0x1d9: {  	v8 =	vsel vm14, v49, v8;
	v9 =	vbroadcast v55, $0xF  }
0x1da: {  	v8 =	vsel vm8, v51, v8  }
0x1db: {  	v8 =	vsel vm10, v8, v52;
	vm6 =	veq.f32 v4, v9  }
0x1dc: {  	v4 =	vnsel vm6, $0x7F61B1E6, v8  }
0x1dd: {  	(xrf0) =	vmin.scan.msk.f32 $0xffff, v4;
	_ =	sdelay $0x2  }
0x1de: {  	(v2sf) =	vpush v6, $0xF;
	_ =	sdelay $0x2  }
0x1df: {  	v4, _, _ =	vpop (xrf0)  }
0x1e0: {  	(v2sf) =	vpush v4, $0xF;
	_ =	sdelay $0xa  }
0x1e1: {  	s29 =	spop (v2sf)  }
0x1e2: {  	s18 =	scvt.f32.s32 s29;
	_ =	sdelay $0x1  }
0x1e3: {  	s18 =	ssub.s32 s18, s1  }
0x1e4: {  	v6 =	vmov s18;
	s30 =	spop (v2sf)  }
0x1e5: {  	s31 =	scvt.f32.s32 s30  }
0x1e6: {  	[tilespmem:s17+$0x2D30] =	vst v7  }
0x1e7: {  	[tilespmem:s17+$0x2D10] =	vst v41;
	s18 =	ssub.s32 s31, s1  }
0x1e8: {  	[tilespmem:s17+$0x2D20] =	vst v3;
	v3 =	vmov s18  }
0x1e9: {  	v7 =	vld.idx.msk [tilespmem:v6+s5+$0x0], $0xffff  }
0x1ea: {  	v56 =	vld.idx.msk [tilespmem:v6+s8+$0x0], $0xffff  }
0x1eb: {  	v57 =	vld.idx.msk [tilespmem:v6+s6+$0x0], $0xffff  }
0x1ec: {  	v58 =	vld.idx.msk [tilespmem:v6+s4+$0x0], $0xffff  }
0x1ed: {  	v59 =	vld.idx.msk [tilespmem:v3+s4+$0x0], $0xffff  }
0x1ee: {  	v6 =	vld.idx.msk [tilespmem:v6+s7+$0x0], $0xffff  }
0x1ef: {  	v60 =	vld.idx.msk [tilespmem:v3+s7+$0x0], $0xffff  }
0x1f0: {  	s15 =	sadd.s32 s16, s15;
	v4 =	vbroadcast v4, $0xF;
	v61 =	vld.idx.msk [tilespmem:v3+s6+$0x0], $0xffff  }
0x1f1: {  	s15 =	sadd.s32 $0x1, s15;
	v62 =	vld.idx.msk [tilespmem:v3+s8+$0x0], $0xffff  }
0x1f2: {  	p1 =	slt.s32 s15, $0x64;
	v5 =	vsel vm0, v5, v58;
	v63 =	vld.idx.msk [tilespmem:v3+s5+$0x0], $0xffff;
	v3 =	vsel vm0, v4, v59  }
.Ltmp2:
0x1f3: {  	v4 =	vsel vm1, v5, v18;
	v3 =	vsel vm1, v3, v9;
	(pc) =	sbr.rel @p1 .LBB2_3-.Ltmp2, $4  }
0x1f4: {  	v4 =	vsel vm2, v4, v6;
	v3 =	vsel vm2, v3, v60  }
0x1f5: {  	v4 =	vsel vm3, v4, v57;
	v3 =	vsel vm3, v3, v61  }
0x1f6: {  	v4 =	vsel vm4, v4, v56;
	v5 =	vsel vm4, v3, v62  }
0x1f7: {  	s14 =	sadd.s32 $0x1, s14;
	v3 =	vsel vm5, v7, v4;
	v4 =	vsel vm5, v63, v5  }
0x1f8: {  	_ =	sfence.sel @p0 $0x180000  }
0x1f9: {  	[bflag:$0x0] =	sbarrier.arrive @p0 $0xFFFF  }
0x1fa: {  	_ =	strace @p0 $0x90000047  }
0x1fb: {  	s1 =	simm.s32 @!p0 $0x0;
	s2 =	simm.s32 @!p0 $0x3480;
	[bflag:$0x2] =	sbarrier.arrive @p0 $0xFFFF  }
0x1fc: {  	[hbm4b:s3+s1] =	stream.linear.scatter @!p0 [tilespmem:s2], [sflag:$0x1], $0x680, $0x38;
	[tilespmem:$0x3B40] =	vst v63  }
0x1fd: {  	s1 =	simm.s32 @!p0 $0x1  }
0x1fe: {  	_ =	swait.ge @!p0 [sflag:s1], $0x680  }
0x1ff: {  	[sflag:s1] =	ssyncset.done @!p0 $0x0  }
0x200: {  	[sflag:s1] =	ssyncadd.s32 @!p0 $0xFFFFF980  }
0x201: {  	_ =	sfence.sel @!p0 $0x180000  }
0x202: {  	[bflag:$0x0] =	sbarrier.arrive @!p0 $0xFFFF  }
0x203: {  	_ =	strace @!p0 $0x90000047  }
0x204: {  	s0 =	sadd.s32 @!p0 $0x100000, s0;
	[bflag:$0x2] =	sbarrier.arrive @!p0 $0xFFFF  }
0x205: {  	[sflag:s0] =	ssyncadd.tile.s32 @!p0 $0x1;
	_ =	shalt  }
.Lfunc_end2:
_tile_overlayer_lowered:
.L_overlay_start_2:
0x206: {  	(tag) =	ssettag $0x2  }
0x207: {  	s0 =	rddreg [dreg:$0x0];
	s2 =	stileid.u32  }
0x208: {  	s1 =	rddreg [dreg:$0x1];
	p0 =	sne.s32 s2, $0x0  }
0x209: {  	s3 =	rddreg [dreg:$0x2];
	[bflag:$0x3] =	sbarrier.arrive $0xFFFF;
	s2 =	simm.s32 @!p0 $0x1C01  }
0x20a: {  	[timem:s3], [sflag:s2] =	dma.local @!p0 [hbm:s0], s1  }
0x20b: {  	s0 =	simm.s32 @!p0 $0x1  }
0x20c: {  	_ =	swait.ge @!p0 [sflag:s0], s1  }
0x20d: {  	s1 =	ssub.s32 @!p0 $0x0, s1;
	[sflag:s0] =	ssyncset.done @!p0 $0x0  }
0x20e: {  	[sflag:s0] =	ssyncadd.s32 @!p0 s1  }
0x20f: {  	[bflag:$0x3] =	sbarrier.arrive $0xFFFF  }
0x210: {  	_ =	shalt  }

</sc_bundles>
